<compile_context>
chip_gen: v7x
topology: tpu7x:2x2x1
jax: 0.10.2.dev20260603
libtpu: 0.0.44.dev20260713+nightly
codegen_flags: <defaults>
</compile_context>

<pallas_src>
import functools

import jax
import jax.numpy as jnp
from jax import lax
from jax.experimental import pallas as pl
from jax.experimental.pallas import tpu as pltpu
from jax.experimental.pallas import tpu_sc as plsc

B = 1
L = 2048
D_MODEL = 768
D_FF = 2048
E = 8
TOP_K = 2
CAPACITY = int(1.25 * B * L * TOP_K / E)
S = B * L
NROWS = E * CAPACITY
NSLOT = S * TOP_K

_info = plsc.get_sparse_core_info()
NC = _info.num_cores
NS = _info.num_subcores
NW = NC * NS
ROWS_W = NROWS // NW
ROW_CHUNK = ROWS_W // 4
TOK_W = S // NW
SCAT_IT = NSLOT // 16


def _router_body(x_ref, gw_ref, desti_ref, posi_ref, wtsi_ref, xp_ref,
                 aux_ref):
    x = x_ref[...]
    gw = gw_ref[...]
    logits = jax.lax.dot_general(
        x, gw, (((1,), (1,)), ((), ())), preferred_element_type=jnp.float32
    )

    e_iota = jax.lax.broadcasted_iota(jnp.int32, (S, E), 1)
    m1 = jnp.max(logits, axis=1, keepdims=True)
    i1 = jnp.min(jnp.where(logits == m1, e_iota, E), axis=1, keepdims=True)
    masked = jnp.where(e_iota == i1, -jnp.inf, logits)
    m2 = jnp.max(masked, axis=1, keepdims=True)
    i2 = jnp.min(jnp.where(masked == m2, e_iota, E), axis=1, keepdims=True)

    w0 = 1.0 / (1.0 + jnp.exp(m2 - m1))
    w1 = 1.0 - w0

    sel0 = (e_iota == i1).astype(jnp.float32)
    sel1 = (e_iota == i2).astype(jnp.float32)
    cnt = sel0 + sel1
    r_io = jax.lax.broadcasted_iota(jnp.int32, (S, S), 0)
    c_io = jax.lax.broadcasted_iota(jnp.int32, (S, S), 1)
    tri = (r_io > c_io).astype(jnp.float32)
    prefix = jax.lax.dot_general(
        tri, cnt, (((1,), (0,)), ((), ())), preferred_element_type=jnp.float32
    )
    rank0 = jnp.sum(sel0 * prefix, axis=1, keepdims=True).astype(jnp.int32)
    rank1 = jnp.sum(sel1 * prefix, axis=1, keepdims=True).astype(jnp.int32)

    loads = jnp.sum(cnt, axis=0, keepdims=True)
    e_iota1 = jax.lax.broadcasted_iota(jnp.int32, (1, E), 1)
    mn = jnp.min(loads, axis=1, keepdims=True)
    zexp = jnp.min(jnp.where(loads == mn, e_iota1, E), axis=1, keepdims=True)
    zrow = zexp * CAPACITY + (CAPACITY - 1)

    keep0 = rank0 < CAPACITY
    keep1 = rank1 < CAPACITY
    d0 = i1 * CAPACITY + rank0
    d1 = i2 * CAPACITY + rank1
    desti_ref[:, 0:1] = jnp.where(keep0, d0, NROWS)
    desti_ref[:, 1:2] = jnp.where(keep1, d1, NROWS)
    posi_ref[:, 0:1] = jnp.where(keep0, d0, zrow)
    posi_ref[:, 1:2] = jnp.where(keep1, d1, zrow)
    wtsi_ref[:, 0:1] = jnp.where(keep0, w0, 0.0)
    wtsi_ref[:, 1:2] = jnp.where(keep1, w1, 0.0)
    xb = x.astype(jnp.bfloat16)
    lo16 = jax.lax.bitcast_convert_type(xb[:, 0:D_MODEL // 2], jnp.int16)
    hi16 = jax.lax.bitcast_convert_type(xb[:, D_MODEL // 2:D_MODEL], jnp.int16)
    xp_ref[...] = (lo16.astype(jnp.int32) & 0xFFFF) | (hi16.astype(jnp.int32) << 16)

    p = jnp.exp(logits - m1)
    p = p / jnp.sum(p, axis=1, keepdims=True)
    ep = jnp.mean(p, axis=0, keepdims=True)
    aux_ref[...] = jnp.mean((ep - 1.0 / E) ** 2, axis=1, keepdims=True) * E


def _sc_gather_body(dest_hbm, wts_hbm, zi_hbm, zf_hbm, xp_hbm,
                    xg_hbm, wv_hbm,
                    dest_v, wts_v, tok_v, wvl_v, rows_v, sem):
    wid = lax.axis_index("s") * NC + lax.axis_index("c")
    pltpu.sync_copy(dest_hbm, dest_v)
    pltpu.sync_copy(wts_hbm, wts_v)
    pltpu.sync_copy(zi_hbm, tok_v)
    pltpu.sync_copy(zf_hbm, wvl_v)

    def body(j, carry):
        for u in range(8):
            base = j * 128 + u * 16
            dvec = dest_v[pl.ds(base, 16)]
            wvec = wts_v[pl.ds(base, 16)]
            jv = lax.iota(jnp.int32, 16) + base
            tok = lax.bitwise_and(jv, S - 1)
            mask = dvec < NROWS
            plsc.store_scatter(tok_v, [dvec], tok, mask=mask)
            plsc.store_scatter(wvl_v, [dvec], wvec, mask=mask)
        return carry

    lax.fori_loop(0, SCAT_IT // 8, body, 0)

    start = wid * ROWS_W
    pltpu.sync_copy(wvl_v.at[pl.ds(start, ROWS_W)],
                    wv_hbm.at[pl.ds(start, ROWS_W)])
    nchunk = ROWS_W // ROW_CHUNK
    copies = []
    for chunk in range(nchunk):
        cs = start + chunk * ROW_CHUNK
        buf = rows_v.at[chunk % 2]
        copies.append(pltpu.async_copy(
            xp_hbm.at[tok_v.at[pl.ds(cs, ROW_CHUNK)]], buf, sem))
        if chunk >= 1:
            ps = start + (chunk - 1) * ROW_CHUNK
            copies[chunk - 1].wait()
            pltpu.sync_copy(rows_v.at[(chunk - 1) % 2],
                            xg_hbm.at[pl.ds(ps, ROW_CHUNK)])
    copies[nchunk - 1].wait()
    pltpu.sync_copy(rows_v.at[(nchunk - 1) % 2],
                    xg_hbm.at[pl.ds(start + (nchunk - 1) * ROW_CHUNK, ROW_CHUNK)])


def _expert_body(xg_ref, wv_ref, w1_ref, w3_ref, w2_ref, ogw_ref, og_scr,
                 xg_scr):
    f = pl.program_id(1)
    nf = pl.num_programs(1)

    @pl.when(f == 0)
    def _unpack():
        xgp = xg_ref[...]
        xlo = jax.lax.bitcast_convert_type((xgp & 0xFFFF).astype(jnp.int16),
                                           jnp.bfloat16)
        xhi = jax.lax.bitcast_convert_type(
            jax.lax.shift_right_logical(xgp, 16).astype(jnp.int16),
            jnp.bfloat16)
        xg_scr[...] = jnp.concatenate([xlo, xhi], axis=1)

    xg = xg_scr[...]
    w1e = w1_ref[0].astype(jnp.bfloat16)
    w3e = w3_ref[0].astype(jnp.bfloat16)
    w2e = w2_ref[0].astype(jnp.bfloat16)
    h1 = jax.lax.dot_general(xg, w1e, (((1,), (0,)), ((), ())),
                             preferred_element_type=jnp.float32)
    h3 = jax.lax.dot_general(xg, w3e, (((1,), (0,)), ((), ())),
                             preferred_element_type=jnp.float32)
    h = (h1 / (1.0 + jnp.exp(-h1)) * h3).astype(jnp.bfloat16)
    og = jax.lax.dot_general(h, w2e, (((1,), (0,)), ((), ())),
                             preferred_element_type=jnp.float32)

    @pl.when(f == 0)
    def _():
        og_scr[...] = og

    @pl.when(f != 0)
    def _():
        og_scr[...] += og

    @pl.when(f == nf - 1)
    def _():
        ogw = (og_scr[...] * wv_ref[...]).astype(jnp.bfloat16)
        olo = jax.lax.bitcast_convert_type(ogw[:, 0:D_MODEL // 2], jnp.int16)
        ohi = jax.lax.bitcast_convert_type(ogw[:, D_MODEL // 2:D_MODEL],
                                           jnp.int16)
        ogw_ref[...] = ((olo.astype(jnp.int32) & 0xFFFF)
                        | (ohi.astype(jnp.int32) << 16))


def _sc_combine_body(p0_hbm, p1_hbm, ogw_hbm, out_hbm,
                     p0_v, p1_v, r0_v, r1_v, sem):
    wid = lax.axis_index("s") * NC + lax.axis_index("c")
    s0 = wid * TOK_W
    pltpu.sync_copy(p0_hbm.at[pl.ds(s0, TOK_W)], p0_v)
    pltpu.sync_copy(p1_hbm.at[pl.ds(s0, TOK_W)], p1_v)
    pltpu.async_copy(ogw_hbm.at[p0_v], r0_v, sem).wait()
    pltpu.async_copy(ogw_hbm.at[p1_v], r1_v, sem).wait()

    def body(t, carry):
        for c in range(D_MODEL // 32):
            sl = pl.ds(c * 16, 16)
            a = plsc.bitcast(r0_v[t, sl], jnp.bfloat16)
            b = plsc.bitcast(r1_v[t, sl], jnp.bfloat16)
            r0_v[t, sl] = plsc.bitcast(a + b, jnp.int32)
        return carry

    lax.fori_loop(0, TOK_W, body, 0)
    pltpu.sync_copy(r0_v, out_hbm.at[pl.ds(s0, TOK_W)])


_sc_mesh = plsc.VectorSubcoreMesh(core_axis_name="c", subcore_axis_name="s")

_sc_params = pltpu.CompilerParams(needs_layout_passes=False)

_sc_gather = functools.partial(
    pl.kernel,
    mesh=_sc_mesh,
    compiler_params=_sc_params,
    out_type=(
        jax.ShapeDtypeStruct((NROWS, D_MODEL // 2), jnp.int32),
        jax.ShapeDtypeStruct((NROWS,), jnp.float32),
    ),
    scratch_types=[
        pltpu.VMEM((NSLOT,), jnp.int32),
        pltpu.VMEM((NSLOT,), jnp.float32),
        pltpu.VMEM((NROWS,), jnp.int32),
        pltpu.VMEM((NROWS,), jnp.float32),
        pltpu.VMEM((2, ROW_CHUNK, D_MODEL // 2), jnp.int32),
        pltpu.SemaphoreType.DMA,
    ],
)(_sc_gather_body)

_sc_combine = functools.partial(
    pl.kernel,
    mesh=_sc_mesh,
    compiler_params=_sc_params,
    out_type=jax.ShapeDtypeStruct((S, D_MODEL // 2), jnp.int32),
    scratch_types=[
        pltpu.VMEM((TOK_W,), jnp.int32),
        pltpu.VMEM((TOK_W,), jnp.int32),
        pltpu.VMEM((TOK_W, D_MODEL // 2), jnp.int32),
        pltpu.VMEM((TOK_W, D_MODEL // 2), jnp.int32),
        pltpu.SemaphoreType.DMA,
    ],
)(_sc_combine_body)


def _run(x_flat, gate_w, w1, w3, w2):
    desti, posi, wtsi, xp, aux = pl.pallas_call(
        _router_body,
        out_shape=(
            jax.ShapeDtypeStruct((S, TOP_K), jnp.int32),
            jax.ShapeDtypeStruct((S, TOP_K), jnp.int32),
            jax.ShapeDtypeStruct((S, TOP_K), jnp.float32),
            jax.ShapeDtypeStruct((S, D_MODEL // 2), jnp.int32),
            jax.ShapeDtypeStruct((1, 1), jnp.float32),
        ),
    )(x_flat, gate_w)

    dest_flat = desti.T.reshape(NSLOT)
    wts_flat = wtsi.T.reshape(NSLOT)
    pos0 = posi[:, 0]
    pos1 = posi[:, 1]
    zi = jnp.arange(NROWS, dtype=jnp.int32) % S
    zf = jnp.zeros((NROWS,), jnp.float32)

    xg, wv = _sc_gather(dest_flat, wts_flat, zi, zf, xp)

    nf = 2
    f_blk = D_FF // nf
    ogw = pl.pallas_call(
        _expert_body,
        grid=(E, nf),
        in_specs=[
            pl.BlockSpec((CAPACITY, D_MODEL // 2), lambda e, f: (e, 0)),
            pl.BlockSpec((CAPACITY, 1), lambda e, f: (e, 0)),
            pl.BlockSpec((1, D_MODEL, f_blk), lambda e, f: (e, 0, f)),
            pl.BlockSpec((1, D_MODEL, f_blk), lambda e, f: (e, 0, f)),
            pl.BlockSpec((1, f_blk, D_MODEL), lambda e, f: (e, f, 0)),
        ],
        out_specs=pl.BlockSpec((CAPACITY, D_MODEL // 2), lambda e, f: (e, 0)),
        out_shape=jax.ShapeDtypeStruct((NROWS, D_MODEL // 2), jnp.int32),
        scratch_shapes=[
            pltpu.VMEM((CAPACITY, D_MODEL), jnp.float32),
            pltpu.VMEM((CAPACITY, D_MODEL), jnp.bfloat16),
        ],
    )(xg, wv.reshape(NROWS, 1), w1, w3, w2)

    outp = _sc_combine(pos0, pos1, ogw)
    outb = jax.lax.bitcast_convert_type(outp, jnp.bfloat16)
    out = jnp.concatenate([outb[:, :, 0], outb[:, :, 1]],
                          axis=1).astype(jnp.float32)
    return out, aux[0, 0]


@jax.jit
def kernel(x, gate_w, w1, w3, w2):
    x_flat = x.reshape(S, D_MODEL)
    out, aux = _run(x_flat, gate_w, w1, w3, w2)
    return out.reshape(B, L, D_MODEL), aux

# --- scband reference (transcript-rebuilt; emitter-appended) ---
"""Pipeline reference for scband-sparse-mo-e-21835613733543 (READ-ONLY COPY).

The authoritative reference and input builder live on the scoring server;
editing this copy changes nothing except your own understanding.
"""

import jax, jax.numpy as jnp
import numpy as np

B = 1
L = 2048
D_MODEL = 768
D_FF = 2048
E = 8
TOP_K = 2
CAP_FACTOR = 1.25


def setup_inputs(seed: int = 0) -> dict:
    key = jax.random.key(seed)
    ks = jax.random.split(key, 5)
    x = jax.random.normal(ks[0], (B, L, D_MODEL), dtype=jnp.float32)
    gate_w = jax.random.normal(ks[1], (E, D_MODEL), dtype=jnp.float32) * 0.02
    w1 = jax.random.normal(ks[2], (E, D_MODEL, D_FF), dtype=jnp.float32) * 0.02
    w3 = jax.random.normal(ks[3], (E, D_MODEL, D_FF), dtype=jnp.float32) * 0.02
    w2 = jax.random.normal(ks[4], (E, D_FF, D_MODEL), dtype=jnp.float32) * 0.02
    return {"x": x, "gate_w": gate_w, "w1": w1, "w3": w3, "w2": w2}


def _moe_forward(x, gate_w, w1, w3, w2):
    Bq, Lq, d = x.shape
    S = Bq * Lq
    capacity = int(CAP_FACTOR * S * TOP_K / E)
    x_flat = x.reshape(S, d)
    # Router (noise_std=0.0, eval mode)
    router_logits = x_flat @ gate_w.T  # [S, E]
    vals, idx = jax.lax.top_k(router_logits, TOP_K)  # [S, K]
    routing_weights = jax.nn.softmax(vals, axis=-1)  # [S, K]
    # Capacity-based token dropping: slots processed token-major then k,
    # the first `capacity` slots per expert are kept (matches sequential torch loop)
    slots_e = idx.reshape(-1)  # [S*K]
    onehot = jax.nn.one_hot(slots_e, E, dtype=jnp.int32)  # [S*K, E]
    cum = jnp.cumsum(onehot, axis=0)
    rank = jnp.take_along_axis(cum, slots_e[:, None], axis=1)[:, 0] - 1
    keep = (rank < capacity).astype(x.dtype)  # [S*K]
    w_flat = routing_weights.reshape(-1) * keep
    # Dense expert computation (SwiGLU: w2(silu(w1 x) * w3 x)), then gather
    h1 = jnp.einsum('sd,edf->esf', x_flat, w1)
    h3 = jnp.einsum('sd,edf->esf', x_flat, w3)
    h = jax.nn.silu(h1) * h3
    expert_out = jnp.einsum('esf,efd->esd', h, w2)  # [E, S, d]
    token_ids = jnp.repeat(jnp.arange(S), TOP_K)  # [S*K]
    gathered = expert_out[slots_e, token_ids]  # [S*K, d]
    contrib = (w_flat[:, None] * gathered).reshape(S, TOP_K, d).sum(axis=1)
    output = contrib.reshape(Bq, Lq, d)
    # Auxiliary load-balancing loss
    probs = jax.nn.softmax(router_logits, axis=-1)  # [S, E]
    expert_probs = probs.mean(axis=0)  # [E]
    aux_loss = jnp.mean((expert_probs - 1.0 / E) ** 2) * E
    return output, aux_loss


def reference(x, gate_w, w1, w3, w2):
    return _moe_forward(x, gate_w, w1, w3, w2)

if __name__ == "__main__":
    import jax
    _d = setup_inputs()
    print(jax.jit(kernel)(*tuple(_d.values())))

</pallas_src>

<mosaic_0001>
#map = affine_map<(d0, d1) -> (0)>
#map1 = affine_map<(d0, d1) -> (0, 0)>
module attributes {stable_mosaic.version = 14 : i64} {
  func.func @_sc_combine_body(%arg0: i32, %arg1: i32, %arg2: memref<2048xi32, #tpu.memory_space<hbm>>, %arg3: memref<2048xi32, #tpu.memory_space<hbm>>, %arg4: memref<5120x384xi32, #tpu.memory_space<hbm>>, %arg5: memref<2048x384xi32, #tpu.memory_space<hbm>>, %arg6: memref<64xi32, #tpu.memory_space<vmem>>, %arg7: memref<64xi32, #tpu.memory_space<vmem>>, %arg8: memref<64x384xi32, #tpu.memory_space<vmem>>, %arg9: memref<64x384xi32, #tpu.memory_space<vmem>>, %arg10: memref<!tpu.dma_semaphore, #tpu.memory_space<semaphore_mem>>) attributes {dimension_semantics = [#tpu.dimension_semantics<core_parallel>, #tpu.dimension_semantics<subcore_parallel>], iteration_bounds = array<i64: 2, 16>, scalar_prefetch = 0 : i64, scratch_operands = 5 : i64, tpu.core_type = #tpu.core_type<sc_vector_subcore>, window_params = [{transform_indices = #map}, {transform_indices = #map}, {transform_indices = #map1}, {transform_indices = #map1}]} {
    %mul3A = arith.constant 2 : i32
    %mul3A_0 = arith.muli %arg1, %mul3A : i32
    %add3A = arith.addi %mul3A_0, %arg0 : i32
    %mul3A_1 = arith.constant 64 : i32
    %mul3A_2 = arith.muli %add3A, %mul3A_1 : i32
    "tpu.region"() ({
      %run_scoped3A = tpu.sem_alloc : memref<!tpu.dma_semaphore, #tpu.memory_space<semaphore_mem>>
      %dma_start3A_18 = tpu.memref_slice %arg2[%mul3A_2] : memref<2048xi32, #tpu.memory_space<hbm>> -> memref<64xi32, #tpu.memory_space<hbm>>
      %dma_start3A_19 = tpu.memref_slice %arg2[%mul3A_2] : memref<2048xi32, #tpu.memory_space<hbm>> -> memref<64xi32, #tpu.memory_space<hbm>>
      tpu.enqueue_dma source(%dma_start3A_19 : memref<64xi32, #tpu.memory_space<hbm>>) target(%arg6 : memref<64xi32, #tpu.memory_space<vmem>>) target_semaphore(%run_scoped3A : memref<!tpu.dma_semaphore, #tpu.memory_space<semaphore_mem>>)
      %dma_wait3A_20 = tpu.memref_slice %arg2[%mul3A_2] : memref<2048xi32, #tpu.memory_space<hbm>> -> memref<64xi32, #tpu.memory_space<hbm>>
      %dma_wait3A_21 = tpu.memref_slice %arg2[%mul3A_2] : memref<2048xi32, #tpu.memory_space<hbm>> -> memref<64xi32, #tpu.memory_space<hbm>>
      tpu.wait_dma2 semaphore(%run_scoped3A : memref<!tpu.dma_semaphore, #tpu.memory_space<semaphore_mem>>) src(%dma_wait3A_21 : memref<64xi32, #tpu.memory_space<hbm>>) dst(%arg6 : memref<64xi32, #tpu.memory_space<vmem>>)
      tpu.yield
    }) : () -> ()
    "tpu.region"() ({
      %run_scoped3A = tpu.sem_alloc : memref<!tpu.dma_semaphore, #tpu.memory_space<semaphore_mem>>
      %dma_start3A_18 = tpu.memref_slice %arg3[%mul3A_2] : memref<2048xi32, #tpu.memory_space<hbm>> -> memref<64xi32, #tpu.memory_space<hbm>>
      %dma_start3A_19 = tpu.memref_slice %arg3[%mul3A_2] : memref<2048xi32, #tpu.memory_space<hbm>> -> memref<64xi32, #tpu.memory_space<hbm>>
      tpu.enqueue_dma source(%dma_start3A_19 : memref<64xi32, #tpu.memory_space<hbm>>) target(%arg7 : memref<64xi32, #tpu.memory_space<vmem>>) target_semaphore(%run_scoped3A : memref<!tpu.dma_semaphore, #tpu.memory_space<semaphore_mem>>)
      %dma_wait3A_20 = tpu.memref_slice %arg3[%mul3A_2] : memref<2048xi32, #tpu.memory_space<hbm>> -> memref<64xi32, #tpu.memory_space<hbm>>
      %dma_wait3A_21 = tpu.memref_slice %arg3[%mul3A_2] : memref<2048xi32, #tpu.memory_space<hbm>> -> memref<64xi32, #tpu.memory_space<hbm>>
      tpu.wait_dma2 semaphore(%run_scoped3A : memref<!tpu.dma_semaphore, #tpu.memory_space<semaphore_mem>>) src(%dma_wait3A_21 : memref<64xi32, #tpu.memory_space<hbm>>) dst(%arg7 : memref<64xi32, #tpu.memory_space<vmem>>)
      tpu.yield
    }) : () -> ()
    %dma_start3A = arith.constant 0 : i32
    %dma_start3A_3 = arith.constant 0 : i32
    %dma_start3A_4 = tpu.memref_slice %arg4[%dma_start3A, %dma_start3A_3] : memref<5120x384xi32, #tpu.memory_space<hbm>> -> memref<5120x384xi32, #tpu.memory_space<hbm>>
    tpu.enqueue_indirect_dma source(%dma_start3A_4 : memref<5120x384xi32, #tpu.memory_space<hbm>>) target(%arg8 : memref<64x384xi32, #tpu.memory_space<vmem>>) offsets(%arg6 : memref<64xi32, #tpu.memory_space<vmem>>) semaphore(%arg10 : memref<!tpu.dma_semaphore, #tpu.memory_space<semaphore_mem>>)
    %dma_wait3A = arith.constant 0 : i32
    %dma_wait3A_5 = arith.constant 0 : i32
    %dma_wait3A_6 = tpu.memref_slice %arg4[%dma_wait3A, %dma_wait3A_5] : memref<5120x384xi32, #tpu.memory_space<hbm>> -> memref<5120x384xi32, #tpu.memory_space<hbm>>
    tpu.wait_indirect_dma semaphore(%arg10 : memref<!tpu.dma_semaphore, #tpu.memory_space<semaphore_mem>>) src(%dma_wait3A_6 : memref<5120x384xi32, #tpu.memory_space<hbm>>) dst(%arg8 : memref<64x384xi32, #tpu.memory_space<vmem>>)
    %dma_start3A_7 = arith.constant 0 : i32
    %dma_start3A_8 = arith.constant 0 : i32
    %dma_start3A_9 = tpu.memref_slice %arg4[%dma_start3A_7, %dma_start3A_8] : memref<5120x384xi32, #tpu.memory_space<hbm>> -> memref<5120x384xi32, #tpu.memory_space<hbm>>
    tpu.enqueue_indirect_dma source(%dma_start3A_9 : memref<5120x384xi32, #tpu.memory_space<hbm>>) target(%arg9 : memref<64x384xi32, #tpu.memory_space<vmem>>) offsets(%arg7 : memref<64xi32, #tpu.memory_space<vmem>>) semaphore(%arg10 : memref<!tpu.dma_semaphore, #tpu.memory_space<semaphore_mem>>)
    %dma_wait3A_10 = arith.constant 0 : i32
    %dma_wait3A_11 = arith.constant 0 : i32
    %dma_wait3A_12 = tpu.memref_slice %arg4[%dma_wait3A_10, %dma_wait3A_11] : memref<5120x384xi32, #tpu.memory_space<hbm>> -> memref<5120x384xi32, #tpu.memory_space<hbm>>
    tpu.wait_indirect_dma semaphore(%arg10 : memref<!tpu.dma_semaphore, #tpu.memory_space<semaphore_mem>>) src(%dma_wait3A_12 : memref<5120x384xi32, #tpu.memory_space<hbm>>) dst(%arg9 : memref<64x384xi32, #tpu.memory_space<vmem>>)
    %scan3A = arith.constant 0 : i32
    %scan3A_13 = arith.constant 0 : i32
    %scan3A_14 = arith.constant 64 : i32
    %scan3A_15 = arith.addi %scan3A_13, %scan3A_14 : i32
    %scan3A_16 = arith.constant 1 : i32
    scf.for %scan3A_18 = %scan3A_13 to %scan3A_15 step %scan3A_16  : i32 {
      %get3A = arith.index_cast %scan3A_18 : i32 to index
      %get3A_19 = arith.constant 0 : index
      %get3A_20 = tpu.vector_load %arg8[%get3A, %get3A_19] {strides = array<i32>} : memref<64x384xi32, #tpu.memory_space<vmem>>, vector<16xi32>,
      %bitcast3A = vector.bitcast %get3A_20 : vector<16xi32> to vector<32xbf16>
      %get3A_21 = arith.index_cast %scan3A_18 : i32 to index
      %get3A_22 = arith.constant 0 : index
      %get3A_23 = tpu.vector_load %arg9[%get3A_21, %get3A_22] {strides = array<i32>} : memref<64x384xi32, #tpu.memory_space<vmem>>, vector<16xi32>,
      %bitcast3A_24 = vector.bitcast %get3A_23 : vector<16xi32> to vector<32xbf16>
      %add3A_25 = arith.addf %bitcast3A, %bitcast3A_24 : vector<32xbf16>
      %bitcast3A_26 = vector.bitcast %add3A_25 : vector<32xbf16> to vector<16xi32>
      %swap3A = arith.index_cast %scan3A_18 : i32 to index
      %swap3A_27 = arith.constant 0 : index
      %swap3A_28 = tpu.vector_load %arg8[%swap3A, %swap3A_27] {strides = array<i32>} : memref<64x384xi32, #tpu.memory_space<vmem>>, vector<16xi32>,
      tpu.vector_store %arg8[%swap3A, %swap3A_27], %bitcast3A_26 {strides = array<i32>} : memref<64x384xi32, #tpu.memory_space<vmem>>, vector<16xi32>,
      %get3A_29 = arith.index_cast %scan3A_18 : i32 to index
      %get3A_30 = arith.constant 16 : index
      %get3A_31 = tpu.vector_load %arg8[%get3A_29, %get3A_30] {strides = array<i32>} : memref<64x384xi32, #tpu.memory_space<vmem>>, vector<16xi32>,
      %bitcast3A_32 = vector.bitcast %get3A_31 : vector<16xi32> to vector<32xbf16>
      %get3A_33 = arith.index_cast %scan3A_18 : i32 to index
      %get3A_34 = arith.constant 16 : index
      %get3A_35 = tpu.vector_load %arg9[%get3A_33, %get3A_34] {strides = array<i32>} : memref<64x384xi32, #tpu.memory_space<vmem>>, vector<16xi32>,
      %bitcast3A_36 = vector.bitcast %get3A_35 : vector<16xi32> to vector<32xbf16>
      %add3A_37 = arith.addf %bitcast3A_32, %bitcast3A_36 : vector<32xbf16>
      %bitcast3A_38 = vector.bitcast %add3A_37 : vector<32xbf16> to vector<16xi32>
      %swap3A_39 = arith.index_cast %scan3A_18 : i32 to index
      %swap3A_40 = arith.constant 16 : index
      %swap3A_41 = tpu.vector_load %arg8[%swap3A_39, %swap3A_40] {strides = array<i32>} : memref<64x384xi32, #tpu.memory_space<vmem>>, vector<16xi32>,
      tpu.vector_store %arg8[%swap3A_39, %swap3A_40], %bitcast3A_38 {strides = array<i32>} : memref<64x384xi32, #tpu.memory_space<vmem>>, vector<16xi32>,
      %get3A_42 = arith.index_cast %scan3A_18 : i32 to index
      %get3A_43 = arith.constant 32 : index
      %get3A_44 = tpu.vector_load %arg8[%get3A_42, %get3A_43] {strides = array<i32>} : memref<64x384xi32, #tpu.memory_space<vmem>>, vector<16xi32>,
      %bitcast3A_45 = vector.bitcast %get3A_44 : vector<16xi32> to vector<32xbf16>
      %get3A_46 = arith.index_cast %scan3A_18 : i32 to index
      %get3A_47 = arith.constant 32 : index
      %get3A_48 = tpu.vector_load %arg9[%get3A_46, %get3A_47] {strides = array<i32>} : memref<64x384xi32, #tpu.memory_space<vmem>>, vector<16xi32>,
      %bitcast3A_49 = vector.bitcast %get3A_48 : vector<16xi32> to vector<32xbf16>
      %add3A_50 = arith.addf %bitcast3A_45, %bitcast3A_49 : vector<32xbf16>
      %bitcast3A_51 = vector.bitcast %add3A_50 : vector<32xbf16> to vector<16xi32>
      %swap3A_52 = arith.index_cast %scan3A_18 : i32 to index
      %swap3A_53 = arith.constant 32 : index
      %swap3A_54 = tpu.vector_load %arg8[%swap3A_52, %swap3A_53] {strides = array<i32>} : memref<64x384xi32, #tpu.memory_space<vmem>>, vector<16xi32>,
      tpu.vector_store %arg8[%swap3A_52, %swap3A_53], %bitcast3A_51 {strides = array<i32>} : memref<64x384xi32, #tpu.memory_space<vmem>>, vector<16xi32>,
      %get3A_55 = arith.index_cast %scan3A_18 : i32 to index
      %get3A_56 = arith.constant 48 : index
      %get3A_57 = tpu.vector_load %arg8[%get3A_55, %get3A_56] {strides = array<i32>} : memref<64x384xi32, #tpu.memory_space<vmem>>, vector<16xi32>,
      %bitcast3A_58 = vector.bitcast %get3A_57 : vector<16xi32> to vector<32xbf16>
      %get3A_59 = arith.index_cast %scan3A_18 : i32 to index
      %get3A_60 = arith.constant 48 : index
      %get3A_61 = tpu.vector_load %arg9[%get3A_59, %get3A_60] {strides = array<i32>} : memref<64x384xi32, #tpu.memory_space<vmem>>, vector<16xi32>,
      %bitcast3A_62 = vector.bitcast %get3A_61 : vector<16xi32> to vector<32xbf16>
      %add3A_63 = arith.addf %bitcast3A_58, %bitcast3A_62 : vector<32xbf16>
      %bitcast3A_64 = vector.bitcast %add3A_63 : vector<32xbf16> to vector<16xi32>
      %swap3A_65 = arith.index_cast %scan3A_18 : i32 to index
      %swap3A_66 = arith.constant 48 : index
      %swap3A_67 = tpu.vector_load %arg8[%swap3A_65, %swap3A_66] {strides = array<i32>} : memref<64x384xi32, #tpu.memory_space<vmem>>, vector<16xi32>,
      tpu.vector_store %arg8[%swap3A_65, %swap3A_66], %bitcast3A_64 {strides = array<i32>} : memref<64x384xi32, #tpu.memory_space<vmem>>, vector<16xi32>,
      %get3A_68 = arith.index_cast %scan3A_18 : i32 to index
      %get3A_69 = arith.constant 64 : index
      %get3A_70 = tpu.vector_load %arg8[%get3A_68, %get3A_69] {strides = array<i32>} : memref<64x384xi32, #tpu.memory_space<vmem>>, vector<16xi32>,
      %bitcast3A_71 = vector.bitcast %get3A_70 : vector<16xi32> to vector<32xbf16>
      %get3A_72 = arith.index_cast %scan3A_18 : i32 to index
      %get3A_73 = arith.constant 64 : index
      %get3A_74 = tpu.vector_load %arg9[%get3A_72, %get3A_73] {strides = array<i32>} : memref<64x384xi32, #tpu.memory_space<vmem>>, vector<16xi32>,
      %bitcast3A_75 = vector.bitcast %get3A_74 : vector<16xi32> to vector<32xbf16>
      %add3A_76 = arith.addf %bitcast3A_71, %bitcast3A_75 : vector<32xbf16>
      %bitcast3A_77 = vector.bitcast %add3A_76 : vector<32xbf16> to vector<16xi32>
      %swap3A_78 = arith.index_cast %scan3A_18 : i32 to index
      %swap3A_79 = arith.constant 64 : index
      %swap3A_80 = tpu.vector_load %arg8[%swap3A_78, %swap3A_79] {strides = array<i32>} : memref<64x384xi32, #tpu.memory_space<vmem>>, vector<16xi32>,
      tpu.vector_store %arg8[%swap3A_78, %swap3A_79], %bitcast3A_77 {strides = array<i32>} : memref<64x384xi32, #tpu.memory_space<vmem>>, vector<16xi32>,
      %get3A_81 = arith.index_cast %scan3A_18 : i32 to index
      %get3A_82 = arith.constant 80 : index
      %get3A_83 = tpu.vector_load %arg8[%get3A_81, %get3A_82] {strides = array<i32>} : memref<64x384xi32, #tpu.memory_space<vmem>>, vector<16xi32>,
      %bitcast3A_84 = vector.bitcast %get3A_83 : vector<16xi32> to vector<32xbf16>
      %get3A_85 = arith.index_cast %scan3A_18 : i32 to index
      %get3A_86 = arith.constant 80 : index
      %get3A_87 = tpu.vector_load %arg9[%get3A_85, %get3A_86] {strides = array<i32>} : memref<64x384xi32, #tpu.memory_space<vmem>>, vector<16xi32>,
      %bitcast3A_88 = vector.bitcast %get3A_87 : vector<16xi32> to vector<32xbf16>
      %add3A_89 = arith.addf %bitcast3A_84, %bitcast3A_88 : vector<32xbf16>
      %bitcast3A_90 = vector.bitcast %add3A_89 : vector<32xbf16> to vector<16xi32>
      %swap3A_91 = arith.index_cast %scan3A_18 : i32 to index
      %swap3A_92 = arith.constant 80 : index
      %swap3A_93 = tpu.vector_load %arg8[%swap3A_91, %swap3A_92] {strides = array<i32>} : memref<64x384xi32, #tpu.memory_space<vmem>>, vector<16xi32>,
      tpu.vector_store %arg8[%swap3A_91, %swap3A_92], %bitcast3A_90 {strides = array<i32>} : memref<64x384xi32, #tpu.memory_space<vmem>>, vector<16xi32>,
      %get3A_94 = arith.index_cast %scan3A_18 : i32 to index
      %get3A_95 = arith.constant 96 : index
      %get3A_96 = tpu.vector_load %arg8[%get3A_94, %get3A_95] {strides = array<i32>} : memref<64x384xi32, #tpu.memory_space<vmem>>, vector<16xi32>,
      %bitcast3A_97 = vector.bitcast %get3A_96 : vector<16xi32> to vector<32xbf16>
      %get3A_98 = arith.index_cast %scan3A_18 : i32 to index
      %get3A_99 = arith.constant 96 : index
      %get3A_100 = tpu.vector_load %arg9[%get3A_98, %get3A_99] {strides = array<i32>} : memref<64x384xi32, #tpu.memory_space<vmem>>, vector<16xi32>,
      %bitcast3A_101 = vector.bitcast %get3A_100 : vector<16xi32> to vector<32xbf16>
      %add3A_102 = arith.addf %bitcast3A_97, %bitcast3A_101 : vector<32xbf16>
      %bitcast3A_103 = vector.bitcast %add3A_102 : vector<32xbf16> to vector<16xi32>
      %swap3A_104 = arith.index_cast %scan3A_18 : i32 to index
      %swap3A_105 = arith.constant 96 : index
      %swap3A_106 = tpu.vector_load %arg8[%swap3A_104, %swap3A_105] {strides = array<i32>} : memref<64x384xi32, #tpu.memory_space<vmem>>, vector<16xi32>,
      tpu.vector_store %arg8[%swap3A_104, %swap3A_105], %bitcast3A_103 {strides = array<i32>} : memref<64x384xi32, #tpu.memory_space<vmem>>, vector<16xi32>,
      %get3A_107 = arith.index_cast %scan3A_18 : i32 to index
      %get3A_108 = arith.constant 112 : index
      %get3A_109 = tpu.vector_load %arg8[%get3A_107, %get3A_108] {strides = array<i32>} : memref<64x384xi32, #tpu.memory_space<vmem>>, vector<16xi32>,
      %bitcast3A_110 = vector.bitcast %get3A_109 : vector<16xi32> to vector<32xbf16>
      %get3A_111 = arith.index_cast %scan3A_18 : i32 to index
      %get3A_112 = arith.constant 112 : index
      %get3A_113 = tpu.vector_load %arg9[%get3A_111, %get3A_112] {strides = array<i32>} : memref<64x384xi32, #tpu.memory_space<vmem>>, vector<16xi32>,
      %bitcast3A_114 = vector.bitcast %get3A_113 : vector<16xi32> to vector<32xbf16>
      %add3A_115 = arith.addf %bitcast3A_110, %bitcast3A_114 : vector<32xbf16>
      %bitcast3A_116 = vector.bitcast %add3A_115 : vector<32xbf16> to vector<16xi32>
      %swap3A_117 = arith.index_cast %scan3A_18 : i32 to index
      %swap3A_118 = arith.constant 112 : index
      %swap3A_119 = tpu.vector_load %arg8[%swap3A_117, %swap3A_118] {strides = array<i32>} : memref<64x384xi32, #tpu.memory_space<vmem>>, vector<16xi32>,
      tpu.vector_store %arg8[%swap3A_117, %swap3A_118], %bitcast3A_116 {strides = array<i32>} : memref<64x384xi32, #tpu.memory_space<vmem>>, vector<16xi32>,
      %get3A_120 = arith.index_cast %scan3A_18 : i32 to index
      %get3A_121 = arith.constant 128 : index
      %get3A_122 = tpu.vector_load %arg8[%get3A_120, %get3A_121] {strides = array<i32>} : memref<64x384xi32, #tpu.memory_space<vmem>>, vector<16xi32>,
      %bitcast3A_123 = vector.bitcast %get3A_122 : vector<16xi32> to vector<32xbf16>
      %get3A_124 = arith.index_cast %scan3A_18 : i32 to index
      %get3A_125 = arith.constant 128 : index
      %get3A_126 = tpu.vector_load %arg9[%get3A_124, %get3A_125] {strides = array<i32>} : memref<64x384xi32, #tpu.memory_space<vmem>>, vector<16xi32>,
      %bitcast3A_127 = vector.bitcast %get3A_126 : vector<16xi32> to vector<32xbf16>
      %add3A_128 = arith.addf %bitcast3A_123, %bitcast3A_127 : vector<32xbf16>
      %bitcast3A_129 = vector.bitcast %add3A_128 : vector<32xbf16> to vector<16xi32>
      %swap3A_130 = arith.index_cast %scan3A_18 : i32 to index
      %swap3A_131 = arith.constant 128 : index
      %swap3A_132 = tpu.vector_load %arg8[%swap3A_130, %swap3A_131] {strides = array<i32>} : memref<64x384xi32, #tpu.memory_space<vmem>>, vector<16xi32>,
      tpu.vector_store %arg8[%swap3A_130, %swap3A_131], %bitcast3A_129 {strides = array<i32>} : memref<64x384xi32, #tpu.memory_space<vmem>>, vector<16xi32>,
      %get3A_133 = arith.index_cast %scan3A_18 : i32 to index
      %get3A_134 = arith.constant 144 : index
      %get3A_135 = tpu.vector_load %arg8[%get3A_133, %get3A_134] {strides = array<i32>} : memref<64x384xi32, #tpu.memory_space<vmem>>, vector<16xi32>,
      %bitcast3A_136 = vector.bitcast %get3A_135 : vector<16xi32> to vector<32xbf16>
      %get3A_137 = arith.index_cast %scan3A_18 : i32 to index
      %get3A_138 = arith.constant 144 : index
      %get3A_139 = tpu.vector_load %arg9[%get3A_137, %get3A_138] {strides = array<i32>} : memref<64x384xi32, #tpu.memory_space<vmem>>, vector<16xi32>,
      %bitcast3A_140 = vector.bitcast %get3A_139 : vector<16xi32> to vector<32xbf16>
      %add3A_141 = arith.addf %bitcast3A_136, %bitcast3A_140 : vector<32xbf16>
      %bitcast3A_142 = vector.bitcast %add3A_141 : vector<32xbf16> to vector<16xi32>
      %swap3A_143 = arith.index_cast %scan3A_18 : i32 to index
      %swap3A_144 = arith.constant 144 : index
      %swap3A_145 = tpu.vector_load %arg8[%swap3A_143, %swap3A_144] {strides = array<i32>} : memref<64x384xi32, #tpu.memory_space<vmem>>, vector<16xi32>,
      tpu.vector_store %arg8[%swap3A_143, %swap3A_144], %bitcast3A_142 {strides = array<i32>} : memref<64x384xi32, #tpu.memory_space<vmem>>, vector<16xi32>,
      %get3A_146 = arith.index_cast %scan3A_18 : i32 to index
      %get3A_147 = arith.constant 160 : index
      %get3A_148 = tpu.vector_load %arg8[%get3A_146, %get3A_147] {strides = array<i32>} : memref<64x384xi32, #tpu.memory_space<vmem>>, vector<16xi32>,
      %bitcast3A_149 = vector.bitcast %get3A_148 : vector<16xi32> to vector<32xbf16>
      %get3A_150 = arith.index_cast %scan3A_18 : i32 to index
      %get3A_151 = arith.constant 160 : index
      %get3A_152 = tpu.vector_load %arg9[%get3A_150, %get3A_151] {strides = array<i32>} : memref<64x384xi32, #tpu.memory_space<vmem>>, vector<16xi32>,
      %bitcast3A_153 = vector.bitcast %get3A_152 : vector<16xi32> to vector<32xbf16>
      %add3A_154 = arith.addf %bitcast3A_149, %bitcast3A_153 : vector<32xbf16>
      %bitcast3A_155 = vector.bitcast %add3A_154 : vector<32xbf16> to vector<16xi32>
      %swap3A_156 = arith.index_cast %scan3A_18 : i32 to index
      %swap3A_157 = arith.constant 160 : index
      %swap3A_158 = tpu.vector_load %arg8[%swap3A_156, %swap3A_157] {strides = array<i32>} : memref<64x384xi32, #tpu.memory_space<vmem>>, vector<16xi32>,
      tpu.vector_store %arg8[%swap3A_156, %swap3A_157], %bitcast3A_155 {strides = array<i32>} : memref<64x384xi32, #tpu.memory_space<vmem>>, vector<16xi32>,
      %get3A_159 = arith.index_cast %scan3A_18 : i32 to index
      %get3A_160 = arith.constant 176 : index
      %get3A_161 = tpu.vector_load %arg8[%get3A_159, %get3A_160] {strides = array<i32>} : memref<64x384xi32, #tpu.memory_space<vmem>>, vector<16xi32>,
      %bitcast3A_162 = vector.bitcast %get3A_161 : vector<16xi32> to vector<32xbf16>
      %get3A_163 = arith.index_cast %scan3A_18 : i32 to index
      %get3A_164 = arith.constant 176 : index
      %get3A_165 = tpu.vector_load %arg9[%get3A_163, %get3A_164] {strides = array<i32>} : memref<64x384xi32, #tpu.memory_space<vmem>>, vector<16xi32>,
      %bitcast3A_166 = vector.bitcast %get3A_165 : vector<16xi32> to vector<32xbf16>
      %add3A_167 = arith.addf %bitcast3A_162, %bitcast3A_166 : vector<32xbf16>
      %bitcast3A_168 = vector.bitcast %add3A_167 : vector<32xbf16> to vector<16xi32>
      %swap3A_169 = arith.index_cast %scan3A_18 : i32 to index
      %swap3A_170 = arith.constant 176 : index
      %swap3A_171 = tpu.vector_load %arg8[%swap3A_169, %swap3A_170] {strides = array<i32>} : memref<64x384xi32, #tpu.memory_space<vmem>>, vector<16xi32>,
      tpu.vector_store %arg8[%swap3A_169, %swap3A_170], %bitcast3A_168 {strides = array<i32>} : memref<64x384xi32, #tpu.memory_space<vmem>>, vector<16xi32>,
      %get3A_172 = arith.index_cast %scan3A_18 : i32 to index
      %get3A_173 = arith.constant 192 : index
      %get3A_174 = tpu.vector_load %arg8[%get3A_172, %get3A_173] {strides = array<i32>} : memref<64x384xi32, #tpu.memory_space<vmem>>, vector<16xi32>,
      %bitcast3A_175 = vector.bitcast %get3A_174 : vector<16xi32> to vector<32xbf16>
      %get3A_176 = arith.index_cast %scan3A_18 : i32 to index
      %get3A_177 = arith.constant 192 : index
      %get3A_178 = tpu.vector_load %arg9[%get3A_176, %get3A_177] {strides = array<i32>} : memref<64x384xi32, #tpu.memory_space<vmem>>, vector<16xi32>,
      %bitcast3A_179 = vector.bitcast %get3A_178 : vector<16xi32> to vector<32xbf16>
      %add3A_180 = arith.addf %bitcast3A_175, %bitcast3A_179 : vector<32xbf16>
      %bitcast3A_181 = vector.bitcast %add3A_180 : vector<32xbf16> to vector<16xi32>
      %swap3A_182 = arith.index_cast %scan3A_18 : i32 to index
      %swap3A_183 = arith.constant 192 : index
      %swap3A_184 = tpu.vector_load %arg8[%swap3A_182, %swap3A_183] {strides = array<i32>} : memref<64x384xi32, #tpu.memory_space<vmem>>, vector<16xi32>,
      tpu.vector_store %arg8[%swap3A_182, %swap3A_183], %bitcast3A_181 {strides = array<i32>} : memref<64x384xi32, #tpu.memory_space<vmem>>, vector<16xi32>,
      %get3A_185 = arith.index_cast %scan3A_18 : i32 to index
      %get3A_186 = arith.constant 208 : index
      %get3A_187 = tpu.vector_load %arg8[%get3A_185, %get3A_186] {strides = array<i32>} : memref<64x384xi32, #tpu.memory_space<vmem>>, vector<16xi32>,
      %bitcast3A_188 = vector.bitcast %get3A_187 : vector<16xi32> to vector<32xbf16>
      %get3A_189 = arith.index_cast %scan3A_18 : i32 to index
      %get3A_190 = arith.constant 208 : index
      %get3A_191 = tpu.vector_load %arg9[%get3A_189, %get3A_190] {strides = array<i32>} : memref<64x384xi32, #tpu.memory_space<vmem>>, vector<16xi32>,
      %bitcast3A_192 = vector.bitcast %get3A_191 : vector<16xi32> to vector<32xbf16>
      %add3A_193 = arith.addf %bitcast3A_188, %bitcast3A_192 : vector<32xbf16>
      %bitcast3A_194 = vector.bitcast %add3A_193 : vector<32xbf16> to vector<16xi32>
      %swap3A_195 = arith.index_cast %scan3A_18 : i32 to index
      %swap3A_196 = arith.constant 208 : index
      %swap3A_197 = tpu.vector_load %arg8[%swap3A_195, %swap3A_196] {strides = array<i32>} : memref<64x384xi32, #tpu.memory_space<vmem>>, vector<16xi32>,
      tpu.vector_store %arg8[%swap3A_195, %swap3A_196], %bitcast3A_194 {strides = array<i32>} : memref<64x384xi32, #tpu.memory_space<vmem>>, vector<16xi32>,
      %get3A_198 = arith.index_cast %scan3A_18 : i32 to index
      %get3A_199 = arith.constant 224 : index
      %get3A_200 = tpu.vector_load %arg8[%get3A_198, %get3A_199] {strides = array<i32>} : memref<64x384xi32, #tpu.memory_space<vmem>>, vector<16xi32>,
      %bitcast3A_201 = vector.bitcast %get3A_200 : vector<16xi32> to vector<32xbf16>
      %get3A_202 = arith.index_cast %scan3A_18 : i32 to index
      %get3A_203 = arith.constant 224 : index
      %get3A_204 = tpu.vector_load %arg9[%get3A_202, %get3A_203] {strides = array<i32>} : memref<64x384xi32, #tpu.memory_space<vmem>>, vector<16xi32>,
      %bitcast3A_205 = vector.bitcast %get3A_204 : vector<16xi32> to vector<32xbf16>
      %add3A_206 = arith.addf %bitcast3A_201, %bitcast3A_205 : vector<32xbf16>
      %bitcast3A_207 = vector.bitcast %add3A_206 : vector<32xbf16> to vector<16xi32>
      %swap3A_208 = arith.index_cast %scan3A_18 : i32 to index
      %swap3A_209 = arith.constant 224 : index
      %swap3A_210 = tpu.vector_load %arg8[%swap3A_208, %swap3A_209] {strides = array<i32>} : memref<64x384xi32, #tpu.memory_space<vmem>>, vector<16xi32>,
      tpu.vector_store %arg8[%swap3A_208, %swap3A_209], %bitcast3A_207 {strides = array<i32>} : memref<64x384xi32, #tpu.memory_space<vmem>>, vector<16xi32>,
      %get3A_211 = arith.index_cast %scan3A_18 : i32 to index
      %get3A_212 = arith.constant 240 : index
      %get3A_213 = tpu.vector_load %arg8[%get3A_211, %get3A_212] {strides = array<i32>} : memref<64x384xi32, #tpu.memory_space<vmem>>, vector<16xi32>,
      %bitcast3A_214 = vector.bitcast %get3A_213 : vector<16xi32> to vector<32xbf16>
      %get3A_215 = arith.index_cast %scan3A_18 : i32 to index
      %get3A_216 = arith.constant 240 : index
      %get3A_217 = tpu.vector_load %arg9[%get3A_215, %get3A_216] {strides = array<i32>} : memref<64x384xi32, #tpu.memory_space<vmem>>, vector<16xi32>,
      %bitcast3A_218 = vector.bitcast %get3A_217 : vector<16xi32> to vector<32xbf16>
      %add3A_219 = arith.addf %bitcast3A_214, %bitcast3A_218 : vector<32xbf16>
      %bitcast3A_220 = vector.bitcast %add3A_219 : vector<32xbf16> to vector<16xi32>
      %swap3A_221 = arith.index_cast %scan3A_18 : i32 to index
      %swap3A_222 = arith.constant 240 : index
      %swap3A_223 = tpu.vector_load %arg8[%swap3A_221, %swap3A_222] {strides = array<i32>} : memref<64x384xi32, #tpu.memory_space<vmem>>, vector<16xi32>,
      tpu.vector_store %arg8[%swap3A_221, %swap3A_222], %bitcast3A_220 {strides = array<i32>} : memref<64x384xi32, #tpu.memory_space<vmem>>, vector<16xi32>,
      %get3A_224 = arith.index_cast %scan3A_18 : i32 to index
      %get3A_225 = arith.constant 256 : index
      %get3A_226 = tpu.vector_load %arg8[%get3A_224, %get3A_225] {strides = array<i32>} : memref<64x384xi32, #tpu.memory_space<vmem>>, vector<16xi32>,
      %bitcast3A_227 = vector.bitcast %get3A_226 : vector<16xi32> to vector<32xbf16>
      %get3A_228 = arith.index_cast %scan3A_18 : i32 to index
      %get3A_229 = arith.constant 256 : index
      %get3A_230 = tpu.vector_load %arg9[%get3A_228, %get3A_229] {strides = array<i32>} : memref<64x384xi32, #tpu.memory_space<vmem>>, vector<16xi32>,
      %bitcast3A_231 = vector.bitcast %get3A_230 : vector<16xi32> to vector<32xbf16>
      %add3A_232 = arith.addf %bitcast3A_227, %bitcast3A_231 : vector<32xbf16>
      %bitcast3A_233 = vector.bitcast %add3A_232 : vector<32xbf16> to vector<16xi32>
      %swap3A_234 = arith.index_cast %scan3A_18 : i32 to index
      %swap3A_235 = arith.constant 256 : index
      %swap3A_236 = tpu.vector_load %arg8[%swap3A_234, %swap3A_235] {strides = array<i32>} : memref<64x384xi32, #tpu.memory_space<vmem>>, vector<16xi32>,
      tpu.vector_store %arg8[%swap3A_234, %swap3A_235], %bitcast3A_233 {strides = array<i32>} : memref<64x384xi32, #tpu.memory_space<vmem>>, vector<16xi32>,
      %get3A_237 = arith.index_cast %scan3A_18 : i32 to index
      %get3A_238 = arith.constant 272 : index
      %get3A_239 = tpu.vector_load %arg8[%get3A_237, %get3A_238] {strides = array<i32>} : memref<64x384xi32, #tpu.memory_space<vmem>>, vector<16xi32>,
      %bitcast3A_240 = vector.bitcast %get3A_239 : vector<16xi32> to vector<32xbf16>
      %get3A_241 = arith.index_cast %scan3A_18 : i32 to index
      %get3A_242 = arith.constant 272 : index
      %get3A_243 = tpu.vector_load %arg9[%get3A_241, %get3A_242] {strides = array<i32>} : memref<64x384xi32, #tpu.memory_space<vmem>>, vector<16xi32>,
      %bitcast3A_244 = vector.bitcast %get3A_243 : vector<16xi32> to vector<32xbf16>
      %add3A_245 = arith.addf %bitcast3A_240, %bitcast3A_244 : vector<32xbf16>
      %bitcast3A_246 = vector.bitcast %add3A_245 : vector<32xbf16> to vector<16xi32>
      %swap3A_247 = arith.index_cast %scan3A_18 : i32 to index
      %swap3A_248 = arith.constant 272 : index
      %swap3A_249 = tpu.vector_load %arg8[%swap3A_247, %swap3A_248] {strides = array<i32>} : memref<64x384xi32, #tpu.memory_space<vmem>>, vector<16xi32>,
      tpu.vector_store %arg8[%swap3A_247, %swap3A_248], %bitcast3A_246 {strides = array<i32>} : memref<64x384xi32, #tpu.memory_space<vmem>>, vector<16xi32>,
      %get3A_250 = arith.index_cast %scan3A_18 : i32 to index
      %get3A_251 = arith.constant 288 : index
      %get3A_252 = tpu.vector_load %arg8[%get3A_250, %get3A_251] {strides = array<i32>} : memref<64x384xi32, #tpu.memory_space<vmem>>, vector<16xi32>,
      %bitcast3A_253 = vector.bitcast %get3A_252 : vector<16xi32> to vector<32xbf16>
      %get3A_254 = arith.index_cast %scan3A_18 : i32 to index
      %get3A_255 = arith.constant 288 : index
      %get3A_256 = tpu.vector_load %arg9[%get3A_254, %get3A_255] {strides = array<i32>} : memref<64x384xi32, #tpu.memory_space<vmem>>, vector<16xi32>,
      %bitcast3A_257 = vector.bitcast %get3A_256 : vector<16xi32> to vector<32xbf16>
      %add3A_258 = arith.addf %bitcast3A_253, %bitcast3A_257 : vector<32xbf16>
      %bitcast3A_259 = vector.bitcast %add3A_258 : vector<32xbf16> to vector<16xi32>
      %swap3A_260 = arith.index_cast %scan3A_18 : i32 to index
      %swap3A_261 = arith.constant 288 : index
      %swap3A_262 = tpu.vector_load %arg8[%swap3A_260, %swap3A_261] {strides = array<i32>} : memref<64x384xi32, #tpu.memory_space<vmem>>, vector<16xi32>,
      tpu.vector_store %arg8[%swap3A_260, %swap3A_261], %bitcast3A_259 {strides = array<i32>} : memref<64x384xi32, #tpu.memory_space<vmem>>, vector<16xi32>,
      %get3A_263 = arith.index_cast %scan3A_18 : i32 to index
      %get3A_264 = arith.constant 304 : index
      %get3A_265 = tpu.vector_load %arg8[%get3A_263, %get3A_264] {strides = array<i32>} : memref<64x384xi32, #tpu.memory_space<vmem>>, vector<16xi32>,
      %bitcast3A_266 = vector.bitcast %get3A_265 : vector<16xi32> to vector<32xbf16>
      %get3A_267 = arith.index_cast %scan3A_18 : i32 to index
      %get3A_268 = arith.constant 304 : index
      %get3A_269 = tpu.vector_load %arg9[%get3A_267, %get3A_268] {strides = array<i32>} : memref<64x384xi32, #tpu.memory_space<vmem>>, vector<16xi32>,
      %bitcast3A_270 = vector.bitcast %get3A_269 : vector<16xi32> to vector<32xbf16>
      %add3A_271 = arith.addf %bitcast3A_266, %bitcast3A_270 : vector<32xbf16>
      %bitcast3A_272 = vector.bitcast %add3A_271 : vector<32xbf16> to vector<16xi32>
      %swap3A_273 = arith.index_cast %scan3A_18 : i32 to index
      %swap3A_274 = arith.constant 304 : index
      %swap3A_275 = tpu.vector_load %arg8[%swap3A_273, %swap3A_274] {strides = array<i32>} : memref<64x384xi32, #tpu.memory_space<vmem>>, vector<16xi32>,
      tpu.vector_store %arg8[%swap3A_273, %swap3A_274], %bitcast3A_272 {strides = array<i32>} : memref<64x384xi32, #tpu.memory_space<vmem>>, vector<16xi32>,
      %get3A_276 = arith.index_cast %scan3A_18 : i32 to index
      %get3A_277 = arith.constant 320 : index
      %get3A_278 = tpu.vector_load %arg8[%get3A_276, %get3A_277] {strides = array<i32>} : memref<64x384xi32, #tpu.memory_space<vmem>>, vector<16xi32>,
      %bitcast3A_279 = vector.bitcast %get3A_278 : vector<16xi32> to vector<32xbf16>
      %get3A_280 = arith.index_cast %scan3A_18 : i32 to index
      %get3A_281 = arith.constant 320 : index
      %get3A_282 = tpu.vector_load %arg9[%get3A_280, %get3A_281] {strides = array<i32>} : memref<64x384xi32, #tpu.memory_space<vmem>>, vector<16xi32>,
      %bitcast3A_283 = vector.bitcast %get3A_282 : vector<16xi32> to vector<32xbf16>
      %add3A_284 = arith.addf %bitcast3A_279, %bitcast3A_283 : vector<32xbf16>
      %bitcast3A_285 = vector.bitcast %add3A_284 : vector<32xbf16> to vector<16xi32>
      %swap3A_286 = arith.index_cast %scan3A_18 : i32 to index
      %swap3A_287 = arith.constant 320 : index
      %swap3A_288 = tpu.vector_load %arg8[%swap3A_286, %swap3A_287] {strides = array<i32>} : memref<64x384xi32, #tpu.memory_space<vmem>>, vector<16xi32>,
      tpu.vector_store %arg8[%swap3A_286, %swap3A_287], %bitcast3A_285 {strides = array<i32>} : memref<64x384xi32, #tpu.memory_space<vmem>>, vector<16xi32>,
      %get3A_289 = arith.index_cast %scan3A_18 : i32 to index
      %get3A_290 = arith.constant 336 : index
      %get3A_291 = tpu.vector_load %arg8[%get3A_289, %get3A_290] {strides = array<i32>} : memref<64x384xi32, #tpu.memory_space<vmem>>, vector<16xi32>,
      %bitcast3A_292 = vector.bitcast %get3A_291 : vector<16xi32> to vector<32xbf16>
      %get3A_293 = arith.index_cast %scan3A_18 : i32 to index
      %get3A_294 = arith.constant 336 : index
      %get3A_295 = tpu.vector_load %arg9[%get3A_293, %get3A_294] {strides = array<i32>} : memref<64x384xi32, #tpu.memory_space<vmem>>, vector<16xi32>,
      %bitcast3A_296 = vector.bitcast %get3A_295 : vector<16xi32> to vector<32xbf16>
      %add3A_297 = arith.addf %bitcast3A_292, %bitcast3A_296 : vector<32xbf16>
      %bitcast3A_298 = vector.bitcast %add3A_297 : vector<32xbf16> to vector<16xi32>
      %swap3A_299 = arith.index_cast %scan3A_18 : i32 to index
      %swap3A_300 = arith.constant 336 : index
      %swap3A_301 = tpu.vector_load %arg8[%swap3A_299, %swap3A_300] {strides = array<i32>} : memref<64x384xi32, #tpu.memory_space<vmem>>, vector<16xi32>,
      tpu.vector_store %arg8[%swap3A_299, %swap3A_300], %bitcast3A_298 {strides = array<i32>} : memref<64x384xi32, #tpu.memory_space<vmem>>, vector<16xi32>,
      %get3A_302 = arith.index_cast %scan3A_18 : i32 to index
      %get3A_303 = arith.constant 352 : index
      %get3A_304 = tpu.vector_load %arg8[%get3A_302, %get3A_303] {strides = array<i32>} : memref<64x384xi32, #tpu.memory_space<vmem>>, vector<16xi32>,
      %bitcast3A_305 = vector.bitcast %get3A_304 : vector<16xi32> to vector<32xbf16>
      %get3A_306 = arith.index_cast %scan3A_18 : i32 to index
      %get3A_307 = arith.constant 352 : index
      %get3A_308 = tpu.vector_load %arg9[%get3A_306, %get3A_307] {strides = array<i32>} : memref<64x384xi32, #tpu.memory_space<vmem>>, vector<16xi32>,
      %bitcast3A_309 = vector.bitcast %get3A_308 : vector<16xi32> to vector<32xbf16>
      %add3A_310 = arith.addf %bitcast3A_305, %bitcast3A_309 : vector<32xbf16>
      %bitcast3A_311 = vector.bitcast %add3A_310 : vector<32xbf16> to vector<16xi32>
      %swap3A_312 = arith.index_cast %scan3A_18 : i32 to index
      %swap3A_313 = arith.constant 352 : index
      %swap3A_314 = tpu.vector_load %arg8[%swap3A_312, %swap3A_313] {strides = array<i32>} : memref<64x384xi32, #tpu.memory_space<vmem>>, vector<16xi32>,
      tpu.vector_store %arg8[%swap3A_312, %swap3A_313], %bitcast3A_311 {strides = array<i32>} : memref<64x384xi32, #tpu.memory_space<vmem>>, vector<16xi32>,
      %get3A_315 = arith.index_cast %scan3A_18 : i32 to index
      %get3A_316 = arith.constant 368 : index
      %get3A_317 = tpu.vector_load %arg8[%get3A_315, %get3A_316] {strides = array<i32>} : memref<64x384xi32, #tpu.memory_space<vmem>>, vector<16xi32>,
      %bitcast3A_318 = vector.bitcast %get3A_317 : vector<16xi32> to vector<32xbf16>
      %get3A_319 = arith.index_cast %scan3A_18 : i32 to index
      %get3A_320 = arith.constant 368 : index
      %get3A_321 = tpu.vector_load %arg9[%get3A_319, %get3A_320] {strides = array<i32>} : memref<64x384xi32, #tpu.memory_space<vmem>>, vector<16xi32>,
      %bitcast3A_322 = vector.bitcast %get3A_321 : vector<16xi32> to vector<32xbf16>
      %add3A_323 = arith.addf %bitcast3A_318, %bitcast3A_322 : vector<32xbf16>
      %bitcast3A_324 = vector.bitcast %add3A_323 : vector<32xbf16> to vector<16xi32>
      %swap3A_325 = arith.index_cast %scan3A_18 : i32 to index
      %swap3A_326 = arith.constant 368 : index
      %swap3A_327 = tpu.vector_load %arg8[%swap3A_325, %swap3A_326] {strides = array<i32>} : memref<64x384xi32, #tpu.memory_space<vmem>>, vector<16xi32>,
      tpu.vector_store %arg8[%swap3A_325, %swap3A_326], %bitcast3A_324 {strides = array<i32>} : memref<64x384xi32, #tpu.memory_space<vmem>>, vector<16xi32>,
    }
    %scan3A_17 = arith.constant 64 : i32
    "tpu.region"() ({
      %run_scoped3A = tpu.sem_alloc : memref<!tpu.dma_semaphore, #tpu.memory_space<semaphore_mem>>
      %dma_start3A_18 = arith.constant 0 : i32
      %dma_start3A_19 = tpu.memref_slice %arg5[%mul3A_2, %dma_start3A_18] : memref<2048x384xi32, #tpu.memory_space<hbm>> -> memref<64x384xi32, #tpu.memory_space<hbm>>
      %dma_start3A_20 = arith.constant 0 : i32
      %dma_start3A_21 = tpu.memref_slice %arg5[%mul3A_2, %dma_start3A_20] : memref<2048x384xi32, #tpu.memory_space<hbm>> -> memref<64x384xi32, #tpu.memory_space<hbm>>
      tpu.enqueue_dma source(%arg8 : memref<64x384xi32, #tpu.memory_space<vmem>>) target(%dma_start3A_21 : memref<64x384xi32, #tpu.memory_space<hbm>>) target_semaphore(%run_scoped3A : memref<!tpu.dma_semaphore, #tpu.memory_space<semaphore_mem>>)
      %dma_wait3A_22 = arith.constant 0 : i32
      %dma_wait3A_23 = tpu.memref_slice %arg5[%mul3A_2, %dma_wait3A_22] : memref<2048x384xi32, #tpu.memory_space<hbm>> -> memref<64x384xi32, #tpu.memory_space<hbm>>
      %dma_wait3A_24 = arith.constant 0 : i32
      %dma_wait3A_25 = tpu.memref_slice %arg5[%mul3A_2, %dma_wait3A_24] : memref<2048x384xi32, #tpu.memory_space<hbm>> -> memref<64x384xi32, #tpu.memory_space<hbm>>
      tpu.wait_dma2 semaphore(%run_scoped3A : memref<!tpu.dma_semaphore, #tpu.memory_space<semaphore_mem>>) src(%arg8 : memref<64x384xi32, #tpu.memory_space<vmem>>) dst(%dma_wait3A_25 : memref<64x384xi32, #tpu.memory_space<hbm>>)
      tpu.yield
    }) : () -> ()
    return
  }
}

#map = affine_map<(d0, d1) -> (0)>
#map1 = affine_map<(d0, d1) -> (0, 0)>
module attributes {stable_mosaic.version = 14 : i64} {
  func.func @_sc_gather_body(%arg0: i32, %arg1: i32, %arg2: memref<4096xi32, #tpu.memory_space<hbm>>, %arg3: memref<4096xf32, #tpu.memory_space<hbm>>, %arg4: memref<5120xi32, #tpu.memory_space<hbm>>, %arg5: memref<5120xf32, #tpu.memory_space<hbm>>, %arg6: memref<2048x384xi32, #tpu.memory_space<hbm>>, %arg7: memref<5120x384xi32, #tpu.memory_space<hbm>>, %arg8: memref<5120xf32, #tpu.memory_space<hbm>>, %arg9: memref<4096xi32, #tpu.memory_space<vmem>>, %arg10: memref<4096xf32, #tpu.memory_space<vmem>>, %arg11: memref<5120xi32, #tpu.memory_space<vmem>>, %arg12: memref<5120xf32, #tpu.memory_space<vmem>>, %arg13: memref<2x40x384xi32, #tpu.memory_space<vmem>>, %arg14: memref<!tpu.dma_semaphore, #tpu.memory_space<semaphore_mem>>) attributes {dimension_semantics = [#tpu.dimension_semantics<core_parallel>, #tpu.dimension_semantics<subcore_parallel>], iteration_bounds = array<i64: 2, 16>, scalar_prefetch = 0 : i64, scratch_operands = 6 : i64, tpu.core_type = #tpu.core_type<sc_vector_subcore>, window_params = [{transform_indices = #map}, {transform_indices = #map}, {transform_indices = #map}, {transform_indices = #map}, {transform_indices = #map1}, {transform_indices = #map1}, {transform_indices = #map}]} {
    %mul3A = arith.constant 2 : i32
    %mul3A_0 = arith.muli %arg1, %mul3A : i32
    %add3A = arith.addi %mul3A_0, %arg0 : i32
    "tpu.region"() ({
      %run_scoped3A_97 = tpu.sem_alloc : memref<!tpu.dma_semaphore, #tpu.memory_space<semaphore_mem>>
      tpu.enqueue_dma source(%arg2 : memref<4096xi32, #tpu.memory_space<hbm>>) target(%arg9 : memref<4096xi32, #tpu.memory_space<vmem>>) target_semaphore(%run_scoped3A_97 : memref<!tpu.dma_semaphore, #tpu.memory_space<semaphore_mem>>)
      tpu.wait_dma2 semaphore(%run_scoped3A_97 : memref<!tpu.dma_semaphore, #tpu.memory_space<semaphore_mem>>) src(%arg2 : memref<4096xi32, #tpu.memory_space<hbm>>) dst(%arg9 : memref<4096xi32, #tpu.memory_space<vmem>>)
      tpu.yield
    }) : () -> ()
    "tpu.region"() ({
      %run_scoped3A_97 = tpu.sem_alloc : memref<!tpu.dma_semaphore, #tpu.memory_space<semaphore_mem>>
      tpu.enqueue_dma source(%arg3 : memref<4096xf32, #tpu.memory_space<hbm>>) target(%arg10 : memref<4096xf32, #tpu.memory_space<vmem>>) target_semaphore(%run_scoped3A_97 : memref<!tpu.dma_semaphore, #tpu.memory_space<semaphore_mem>>)
      tpu.wait_dma2 semaphore(%run_scoped3A_97 : memref<!tpu.dma_semaphore, #tpu.memory_space<semaphore_mem>>) src(%arg3 : memref<4096xf32, #tpu.memory_space<hbm>>) dst(%arg10 : memref<4096xf32, #tpu.memory_space<vmem>>)
      tpu.yield
    }) : () -> ()
    "tpu.region"() ({
      %run_scoped3A_97 = tpu.sem_alloc : memref<!tpu.dma_semaphore, #tpu.memory_space<semaphore_mem>>
      tpu.enqueue_dma source(%arg4 : memref<5120xi32, #tpu.memory_space<hbm>>) target(%arg11 : memref<5120xi32, #tpu.memory_space<vmem>>) target_semaphore(%run_scoped3A_97 : memref<!tpu.dma_semaphore, #tpu.memory_space<semaphore_mem>>)
      tpu.wait_dma2 semaphore(%run_scoped3A_97 : memref<!tpu.dma_semaphore, #tpu.memory_space<semaphore_mem>>) src(%arg4 : memref<5120xi32, #tpu.memory_space<hbm>>) dst(%arg11 : memref<5120xi32, #tpu.memory_space<vmem>>)
      tpu.yield
    }) : () -> ()
    "tpu.region"() ({
      %run_scoped3A_97 = tpu.sem_alloc : memref<!tpu.dma_semaphore, #tpu.memory_space<semaphore_mem>>
      tpu.enqueue_dma source(%arg5 : memref<5120xf32, #tpu.memory_space<hbm>>) target(%arg12 : memref<5120xf32, #tpu.memory_space<vmem>>) target_semaphore(%run_scoped3A_97 : memref<!tpu.dma_semaphore, #tpu.memory_space<semaphore_mem>>)
      tpu.wait_dma2 semaphore(%run_scoped3A_97 : memref<!tpu.dma_semaphore, #tpu.memory_space<semaphore_mem>>) src(%arg5 : memref<5120xf32, #tpu.memory_space<hbm>>) dst(%arg12 : memref<5120xf32, #tpu.memory_space<vmem>>)
      tpu.yield
    }) : () -> ()
    %scan3A = arith.constant 0 : i32
    %scan3A_1 = arith.constant 0 : i32
    %scan3A_2 = arith.constant 32 : i32
    %scan3A_3 = arith.addi %scan3A_1, %scan3A_2 : i32
    %scan3A_4 = arith.constant 1 : i32
    scf.for %scan3A_97 = %scan3A_1 to %scan3A_3 step %scan3A_4  : i32 {
      %mul3A_98 = arith.constant 128 : i32
      %mul3A_99 = arith.muli %scan3A_97, %mul3A_98 : i32
      %add3A_100 = arith.constant 0 : i32
      %add3A_101 = arith.addi %mul3A_99, %add3A_100 : i32
      %get3A = arith.index_cast %add3A_101 : i32 to index
      %get3A_102 = tpu.vector_load %arg9[%get3A] {strides = array<i32>} : memref<4096xi32, #tpu.memory_space<vmem>>, vector<16xi32>,
      %get3A_103 = arith.index_cast %add3A_101 : i32 to index
      %get3A_104 = tpu.vector_load %arg10[%get3A_103] {strides = array<i32>} : memref<4096xf32, #tpu.memory_space<vmem>>, vector<16xf32>,
      %iota3A = tpu.iota {dimensions = array<i32: 0>} : vector<16xi32>
      %add3A_105 = vector.broadcast %add3A_101 : i32 to vector<16xi32>
      %add3A_106 = arith.addi %iota3A, %add3A_105 : vector<16xi32>
      %and3A = arith.constant 2047 : i32
      %and3A_107 = vector.broadcast %and3A : i32 to vector<16xi32>
      %and3A_108 = arith.andi %add3A_106, %and3A_107 : vector<16xi32>
      %lt3A = arith.constant 5120 : i32
      %lt3A_109 = vector.broadcast %lt3A : i32 to vector<16xi32>
      %lt3A_110 = arith.cmpi slt, %get3A_102, %lt3A_109 : vector<16xi32>
      tpu.vector_store_idx %arg11[%get3A_102], %and3A_108 masked %lt3A_110 : memref<5120xi32, #tpu.memory_space<vmem>>[vector<16xi32>], vector<16xi32>, vector<16xi1>
      tpu.vector_store_idx %arg12[%get3A_102], %get3A_104 masked %lt3A_110 : memref<5120xf32, #tpu.memory_space<vmem>>[vector<16xi32>], vector<16xf32>, vector<16xi1>
      %mul3A_111 = arith.constant 128 : i32
      %mul3A_112 = arith.muli %scan3A_97, %mul3A_111 : i32
      %add3A_113 = arith.constant 16 : i32
      %add3A_114 = arith.addi %mul3A_112, %add3A_113 : i32
      %get3A_115 = arith.index_cast %add3A_114 : i32 to index
      %get3A_116 = tpu.vector_load %arg9[%get3A_115] {strides = array<i32>} : memref<4096xi32, #tpu.memory_space<vmem>>, vector<16xi32>,
      %get3A_117 = arith.index_cast %add3A_114 : i32 to index
      %get3A_118 = tpu.vector_load %arg10[%get3A_117] {strides = array<i32>} : memref<4096xf32, #tpu.memory_space<vmem>>, vector<16xf32>,
      %iota3A_119 = tpu.iota {dimensions = array<i32: 0>} : vector<16xi32>
      %add3A_120 = vector.broadcast %add3A_114 : i32 to vector<16xi32>
      %add3A_121 = arith.addi %iota3A_119, %add3A_120 : vector<16xi32>
      %and3A_122 = arith.constant 2047 : i32
      %and3A_123 = vector.broadcast %and3A_122 : i32 to vector<16xi32>
      %and3A_124 = arith.andi %add3A_121, %and3A_123 : vector<16xi32>
      %lt3A_125 = arith.constant 5120 : i32
      %lt3A_126 = vector.broadcast %lt3A_125 : i32 to vector<16xi32>
      %lt3A_127 = arith.cmpi slt, %get3A_116, %lt3A_126 : vector<16xi32>
      tpu.vector_store_idx %arg11[%get3A_116], %and3A_124 masked %lt3A_127 : memref<5120xi32, #tpu.memory_space<vmem>>[vector<16xi32>], vector<16xi32>, vector<16xi1>
      tpu.vector_store_idx %arg12[%get3A_116], %get3A_118 masked %lt3A_127 : memref<5120xf32, #tpu.memory_space<vmem>>[vector<16xi32>], vector<16xf32>, vector<16xi1>
      %mul3A_128 = arith.constant 128 : i32
      %mul3A_129 = arith.muli %scan3A_97, %mul3A_128 : i32
      %add3A_130 = arith.constant 32 : i32
      %add3A_131 = arith.addi %mul3A_129, %add3A_130 : i32
      %get3A_132 = arith.index_cast %add3A_131 : i32 to index
      %get3A_133 = tpu.vector_load %arg9[%get3A_132] {strides = array<i32>} : memref<4096xi32, #tpu.memory_space<vmem>>, vector<16xi32>,
      %get3A_134 = arith.index_cast %add3A_131 : i32 to index
      %get3A_135 = tpu.vector_load %arg10[%get3A_134] {strides = array<i32>} : memref<4096xf32, #tpu.memory_space<vmem>>, vector<16xf32>,
      %iota3A_136 = tpu.iota {dimensions = array<i32: 0>} : vector<16xi32>
      %add3A_137 = vector.broadcast %add3A_131 : i32 to vector<16xi32>
      %add3A_138 = arith.addi %iota3A_136, %add3A_137 : vector<16xi32>
      %and3A_139 = arith.constant 2047 : i32
      %and3A_140 = vector.broadcast %and3A_139 : i32 to vector<16xi32>
      %and3A_141 = arith.andi %add3A_138, %and3A_140 : vector<16xi32>
      %lt3A_142 = arith.constant 5120 : i32
      %lt3A_143 = vector.broadcast %lt3A_142 : i32 to vector<16xi32>
      %lt3A_144 = arith.cmpi slt, %get3A_133, %lt3A_143 : vector<16xi32>
      tpu.vector_store_idx %arg11[%get3A_133], %and3A_141 masked %lt3A_144 : memref<5120xi32, #tpu.memory_space<vmem>>[vector<16xi32>], vector<16xi32>, vector<16xi1>
      tpu.vector_store_idx %arg12[%get3A_133], %get3A_135 masked %lt3A_144 : memref<5120xf32, #tpu.memory_space<vmem>>[vector<16xi32>], vector<16xf32>, vector<16xi1>
      %mul3A_145 = arith.constant 128 : i32
      %mul3A_146 = arith.muli %scan3A_97, %mul3A_145 : i32
      %add3A_147 = arith.constant 48 : i32
      %add3A_148 = arith.addi %mul3A_146, %add3A_147 : i32
      %get3A_149 = arith.index_cast %add3A_148 : i32 to index
      %get3A_150 = tpu.vector_load %arg9[%get3A_149] {strides = array<i32>} : memref<4096xi32, #tpu.memory_space<vmem>>, vector<16xi32>,
      %get3A_151 = arith.index_cast %add3A_148 : i32 to index
      %get3A_152 = tpu.vector_load %arg10[%get3A_151] {strides = array<i32>} : memref<4096xf32, #tpu.memory_space<vmem>>, vector<16xf32>,
      %iota3A_153 = tpu.iota {dimensions = array<i32: 0>} : vector<16xi32>
      %add3A_154 = vector.broadcast %add3A_148 : i32 to vector<16xi32>
      %add3A_155 = arith.addi %iota3A_153, %add3A_154 : vector<16xi32>
      %and3A_156 = arith.constant 2047 : i32
      %and3A_157 = vector.broadcast %and3A_156 : i32 to vector<16xi32>
      %and3A_158 = arith.andi %add3A_155, %and3A_157 : vector<16xi32>
      %lt3A_159 = arith.constant 5120 : i32
      %lt3A_160 = vector.broadcast %lt3A_159 : i32 to vector<16xi32>
      %lt3A_161 = arith.cmpi slt, %get3A_150, %lt3A_160 : vector<16xi32>
      tpu.vector_store_idx %arg11[%get3A_150], %and3A_158 masked %lt3A_161 : memref<5120xi32, #tpu.memory_space<vmem>>[vector<16xi32>], vector<16xi32>, vector<16xi1>
      tpu.vector_store_idx %arg12[%get3A_150], %get3A_152 masked %lt3A_161 : memref<5120xf32, #tpu.memory_space<vmem>>[vector<16xi32>], vector<16xf32>, vector<16xi1>
      %mul3A_162 = arith.constant 128 : i32
      %mul3A_163 = arith.muli %scan3A_97, %mul3A_162 : i32
      %add3A_164 = arith.constant 64 : i32
      %add3A_165 = arith.addi %mul3A_163, %add3A_164 : i32
      %get3A_166 = arith.index_cast %add3A_165 : i32 to index
      %get3A_167 = tpu.vector_load %arg9[%get3A_166] {strides = array<i32>} : memref<4096xi32, #tpu.memory_space<vmem>>, vector<16xi32>,
      %get3A_168 = arith.index_cast %add3A_165 : i32 to index
      %get3A_169 = tpu.vector_load %arg10[%get3A_168] {strides = array<i32>} : memref<4096xf32, #tpu.memory_space<vmem>>, vector<16xf32>,
      %iota3A_170 = tpu.iota {dimensions = array<i32: 0>} : vector<16xi32>
      %add3A_171 = vector.broadcast %add3A_165 : i32 to vector<16xi32>
      %add3A_172 = arith.addi %iota3A_170, %add3A_171 : vector<16xi32>
      %and3A_173 = arith.constant 2047 : i32
      %and3A_174 = vector.broadcast %and3A_173 : i32 to vector<16xi32>
      %and3A_175 = arith.andi %add3A_172, %and3A_174 : vector<16xi32>
      %lt3A_176 = arith.constant 5120 : i32
      %lt3A_177 = vector.broadcast %lt3A_176 : i32 to vector<16xi32>
      %lt3A_178 = arith.cmpi slt, %get3A_167, %lt3A_177 : vector<16xi32>
      tpu.vector_store_idx %arg11[%get3A_167], %and3A_175 masked %lt3A_178 : memref<5120xi32, #tpu.memory_space<vmem>>[vector<16xi32>], vector<16xi32>, vector<16xi1>
      tpu.vector_store_idx %arg12[%get3A_167], %get3A_169 masked %lt3A_178 : memref<5120xf32, #tpu.memory_space<vmem>>[vector<16xi32>], vector<16xf32>, vector<16xi1>
      %mul3A_179 = arith.constant 128 : i32
      %mul3A_180 = arith.muli %scan3A_97, %mul3A_179 : i32
      %add3A_181 = arith.constant 80 : i32
      %add3A_182 = arith.addi %mul3A_180, %add3A_181 : i32
      %get3A_183 = arith.index_cast %add3A_182 : i32 to index
      %get3A_184 = tpu.vector_load %arg9[%get3A_183] {strides = array<i32>} : memref<4096xi32, #tpu.memory_space<vmem>>, vector<16xi32>,
      %get3A_185 = arith.index_cast %add3A_182 : i32 to index
      %get3A_186 = tpu.vector_load %arg10[%get3A_185] {strides = array<i32>} : memref<4096xf32, #tpu.memory_space<vmem>>, vector<16xf32>,
      %iota3A_187 = tpu.iota {dimensions = array<i32: 0>} : vector<16xi32>
      %add3A_188 = vector.broadcast %add3A_182 : i32 to vector<16xi32>
      %add3A_189 = arith.addi %iota3A_187, %add3A_188 : vector<16xi32>
      %and3A_190 = arith.constant 2047 : i32
      %and3A_191 = vector.broadcast %and3A_190 : i32 to vector<16xi32>
      %and3A_192 = arith.andi %add3A_189, %and3A_191 : vector<16xi32>
      %lt3A_193 = arith.constant 5120 : i32
      %lt3A_194 = vector.broadcast %lt3A_193 : i32 to vector<16xi32>
      %lt3A_195 = arith.cmpi slt, %get3A_184, %lt3A_194 : vector<16xi32>
      tpu.vector_store_idx %arg11[%get3A_184], %and3A_192 masked %lt3A_195 : memref<5120xi32, #tpu.memory_space<vmem>>[vector<16xi32>], vector<16xi32>, vector<16xi1>
      tpu.vector_store_idx %arg12[%get3A_184], %get3A_186 masked %lt3A_195 : memref<5120xf32, #tpu.memory_space<vmem>>[vector<16xi32>], vector<16xf32>, vector<16xi1>
      %mul3A_196 = arith.constant 128 : i32
      %mul3A_197 = arith.muli %scan3A_97, %mul3A_196 : i32
      %add3A_198 = arith.constant 96 : i32
      %add3A_199 = arith.addi %mul3A_197, %add3A_198 : i32
      %get3A_200 = arith.index_cast %add3A_199 : i32 to index
      %get3A_201 = tpu.vector_load %arg9[%get3A_200] {strides = array<i32>} : memref<4096xi32, #tpu.memory_space<vmem>>, vector<16xi32>,
      %get3A_202 = arith.index_cast %add3A_199 : i32 to index
      %get3A_203 = tpu.vector_load %arg10[%get3A_202] {strides = array<i32>} : memref<4096xf32, #tpu.memory_space<vmem>>, vector<16xf32>,
      %iota3A_204 = tpu.iota {dimensions = array<i32: 0>} : vector<16xi32>
      %add3A_205 = vector.broadcast %add3A_199 : i32 to vector<16xi32>
      %add3A_206 = arith.addi %iota3A_204, %add3A_205 : vector<16xi32>
      %and3A_207 = arith.constant 2047 : i32
      %and3A_208 = vector.broadcast %and3A_207 : i32 to vector<16xi32>
      %and3A_209 = arith.andi %add3A_206, %and3A_208 : vector<16xi32>
      %lt3A_210 = arith.constant 5120 : i32
      %lt3A_211 = vector.broadcast %lt3A_210 : i32 to vector<16xi32>
      %lt3A_212 = arith.cmpi slt, %get3A_201, %lt3A_211 : vector<16xi32>
      tpu.vector_store_idx %arg11[%get3A_201], %and3A_209 masked %lt3A_212 : memref<5120xi32, #tpu.memory_space<vmem>>[vector<16xi32>], vector<16xi32>, vector<16xi1>
      tpu.vector_store_idx %arg12[%get3A_201], %get3A_203 masked %lt3A_212 : memref<5120xf32, #tpu.memory_space<vmem>>[vector<16xi32>], vector<16xf32>, vector<16xi1>
      %mul3A_213 = arith.constant 128 : i32
      %mul3A_214 = arith.muli %scan3A_97, %mul3A_213 : i32
      %add3A_215 = arith.constant 112 : i32
      %add3A_216 = arith.addi %mul3A_214, %add3A_215 : i32
      %get3A_217 = arith.index_cast %add3A_216 : i32 to index
      %get3A_218 = tpu.vector_load %arg9[%get3A_217] {strides = array<i32>} : memref<4096xi32, #tpu.memory_space<vmem>>, vector<16xi32>,
      %get3A_219 = arith.index_cast %add3A_216 : i32 to index
      %get3A_220 = tpu.vector_load %arg10[%get3A_219] {strides = array<i32>} : memref<4096xf32, #tpu.memory_space<vmem>>, vector<16xf32>,
      %iota3A_221 = tpu.iota {dimensions = array<i32: 0>} : vector<16xi32>
      %add3A_222 = vector.broadcast %add3A_216 : i32 to vector<16xi32>
      %add3A_223 = arith.addi %iota3A_221, %add3A_222 : vector<16xi32>
      %and3A_224 = arith.constant 2047 : i32
      %and3A_225 = vector.broadcast %and3A_224 : i32 to vector<16xi32>
      %and3A_226 = arith.andi %add3A_223, %and3A_225 : vector<16xi32>
      %lt3A_227 = arith.constant 5120 : i32
      %lt3A_228 = vector.broadcast %lt3A_227 : i32 to vector<16xi32>
      %lt3A_229 = arith.cmpi slt, %get3A_218, %lt3A_228 : vector<16xi32>
      tpu.vector_store_idx %arg11[%get3A_218], %and3A_226 masked %lt3A_229 : memref<5120xi32, #tpu.memory_space<vmem>>[vector<16xi32>], vector<16xi32>, vector<16xi1>
      tpu.vector_store_idx %arg12[%get3A_218], %get3A_220 masked %lt3A_229 : memref<5120xf32, #tpu.memory_space<vmem>>[vector<16xi32>], vector<16xf32>, vector<16xi1>
    }
    %scan3A_5 = arith.constant 32 : i32
    %mul3A_6 = arith.constant 160 : i32
    %mul3A_7 = arith.muli %add3A, %mul3A_6 : i32
    "tpu.region"() ({
      %run_scoped3A_97 = tpu.sem_alloc : memref<!tpu.dma_semaphore, #tpu.memory_space<semaphore_mem>>
      %dma_start3A_98 = tpu.memref_slice %arg12[%mul3A_7] : memref<5120xf32, #tpu.memory_space<vmem>> -> memref<160xf32, #tpu.memory_space<vmem>>
      %dma_start3A_99 = tpu.memref_slice %arg8[%mul3A_7] : memref<5120xf32, #tpu.memory_space<hbm>> -> memref<160xf32, #tpu.memory_space<hbm>>
      %dma_start3A_100 = tpu.memref_slice %arg8[%mul3A_7] : memref<5120xf32, #tpu.memory_space<hbm>> -> memref<160xf32, #tpu.memory_space<hbm>>
      %dma_start3A_101 = tpu.memref_slice %arg12[%mul3A_7] : memref<5120xf32, #tpu.memory_space<vmem>> -> memref<160xf32, #tpu.memory_space<vmem>>
      tpu.enqueue_dma source(%dma_start3A_101 : memref<160xf32, #tpu.memory_space<vmem>>) target(%dma_start3A_100 : memref<160xf32, #tpu.memory_space<hbm>>) target_semaphore(%run_scoped3A_97 : memref<!tpu.dma_semaphore, #tpu.memory_space<semaphore_mem>>)
      %dma_wait3A_102 = tpu.memref_slice %arg12[%mul3A_7] : memref<5120xf32, #tpu.memory_space<vmem>> -> memref<160xf32, #tpu.memory_space<vmem>>
      %dma_wait3A_103 = tpu.memref_slice %arg8[%mul3A_7] : memref<5120xf32, #tpu.memory_space<hbm>> -> memref<160xf32, #tpu.memory_space<hbm>>
      %dma_wait3A_104 = tpu.memref_slice %arg8[%mul3A_7] : memref<5120xf32, #tpu.memory_space<hbm>> -> memref<160xf32, #tpu.memory_space<hbm>>
      %dma_wait3A_105 = tpu.memref_slice %arg12[%mul3A_7] : memref<5120xf32, #tpu.memory_space<vmem>> -> memref<160xf32, #tpu.memory_space<vmem>>
      tpu.wait_dma2 semaphore(%run_scoped3A_97 : memref<!tpu.dma_semaphore, #tpu.memory_space<semaphore_mem>>) src(%dma_wait3A_105 : memref<160xf32, #tpu.memory_space<vmem>>) dst(%dma_wait3A_104 : memref<160xf32, #tpu.memory_space<hbm>>)
      tpu.yield
    }) : () -> ()
    %add3A_8 = arith.constant 0 : i32
    %add3A_9 = arith.addi %mul3A_7, %add3A_8 : i32
    %dma_start3A = arith.constant 0 : i32
    %dma_start3A_10 = arith.constant 0 : i32
    %dma_start3A_11 = arith.constant 0 : i32
    %dma_start3A_12 = tpu.memref_slice %arg13[%dma_start3A, %dma_start3A_10, %dma_start3A_11] : memref<2x40x384xi32, #tpu.memory_space<vmem>> -> memref<1x40x384xi32, #tpu.memory_space<vmem>>
    %dma_start3A_13 = tpu.memref_squeeze %dma_start3A_12 : memref<1x40x384xi32, #tpu.memory_space<vmem>> -> memref<40x384xi32, #tpu.memory_space<vmem>>
    %dma_start3A_14 = tpu.memref_slice %arg11[%add3A_9] : memref<5120xi32, #tpu.memory_space<vmem>> -> memref<40xi32, #tpu.memory_space<vmem>>
    %dma_start3A_15 = arith.constant 0 : i32
    %dma_start3A_16 = arith.constant 0 : i32
    %dma_start3A_17 = tpu.memref_slice %arg6[%dma_start3A_15, %dma_start3A_16] : memref<2048x384xi32, #tpu.memory_space<hbm>> -> memref<2048x384xi32, #tpu.memory_space<hbm>>
    tpu.enqueue_indirect_dma source(%dma_start3A_17 : memref<2048x384xi32, #tpu.memory_space<hbm>>) target(%dma_start3A_13 : memref<40x384xi32, #tpu.memory_space<vmem>>) offsets(%dma_start3A_14 : memref<40xi32, #tpu.memory_space<vmem>>) semaphore(%arg14 : memref<!tpu.dma_semaphore, #tpu.memory_space<semaphore_mem>>)
    %add3A_18 = arith.constant 40 : i32
    %add3A_19 = arith.addi %mul3A_7, %add3A_18 : i32
    %dma_start3A_20 = arith.constant 1 : i32
    %dma_start3A_21 = arith.constant 0 : i32
    %dma_start3A_22 = arith.constant 0 : i32
    %dma_start3A_23 = tpu.memref_slice %arg13[%dma_start3A_20, %dma_start3A_21, %dma_start3A_22] : memref<2x40x384xi32, #tpu.memory_space<vmem>> -> memref<1x40x384xi32, #tpu.memory_space<vmem>>
    %dma_start3A_24 = tpu.memref_squeeze %dma_start3A_23 : memref<1x40x384xi32, #tpu.memory_space<vmem>> -> memref<40x384xi32, #tpu.memory_space<vmem>>
    %dma_start3A_25 = tpu.memref_slice %arg11[%add3A_19] : memref<5120xi32, #tpu.memory_space<vmem>> -> memref<40xi32, #tpu.memory_space<vmem>>
    %dma_start3A_26 = arith.constant 0 : i32
    %dma_start3A_27 = arith.constant 0 : i32
    %dma_start3A_28 = tpu.memref_slice %arg6[%dma_start3A_26, %dma_start3A_27] : memref<2048x384xi32, #tpu.memory_space<hbm>> -> memref<2048x384xi32, #tpu.memory_space<hbm>>
    tpu.enqueue_indirect_dma source(%dma_start3A_28 : memref<2048x384xi32, #tpu.memory_space<hbm>>) target(%dma_start3A_24 : memref<40x384xi32, #tpu.memory_space<vmem>>) offsets(%dma_start3A_25 : memref<40xi32, #tpu.memory_space<vmem>>) semaphore(%arg14 : memref<!tpu.dma_semaphore, #tpu.memory_space<semaphore_mem>>)
    %add3A_29 = arith.constant 0 : i32
    %add3A_30 = arith.addi %mul3A_7, %add3A_29 : i32
    %dma_wait3A = arith.constant 0 : i32
    %dma_wait3A_31 = arith.constant 0 : i32
    %dma_wait3A_32 = arith.constant 0 : i32
    %dma_wait3A_33 = tpu.memref_slice %arg13[%dma_wait3A, %dma_wait3A_31, %dma_wait3A_32] : memref<2x40x384xi32, #tpu.memory_space<vmem>> -> memref<1x40x384xi32, #tpu.memory_space<vmem>>
    %dma_wait3A_34 = tpu.memref_squeeze %dma_wait3A_33 : memref<1x40x384xi32, #tpu.memory_space<vmem>> -> memref<40x384xi32, #tpu.memory_space<vmem>>
    %dma_wait3A_35 = tpu.memref_slice %arg11[%add3A_9] : memref<5120xi32, #tpu.memory_space<vmem>> -> memref<40xi32, #tpu.memory_space<vmem>>
    %dma_wait3A_36 = arith.constant 0 : i32
    %dma_wait3A_37 = arith.constant 0 : i32
    %dma_wait3A_38 = tpu.memref_slice %arg6[%dma_wait3A_36, %dma_wait3A_37] : memref<2048x384xi32, #tpu.memory_space<hbm>> -> memref<2048x384xi32, #tpu.memory_space<hbm>>
    tpu.wait_indirect_dma semaphore(%arg14 : memref<!tpu.dma_semaphore, #tpu.memory_space<semaphore_mem>>) src(%dma_wait3A_38 : memref<2048x384xi32, #tpu.memory_space<hbm>>) dst(%dma_wait3A_34 : memref<40x384xi32, #tpu.memory_space<vmem>>)
    %run_scoped3A = arith.constant 0 : i32
    "tpu.region"() ({
      %run_scoped3A_97 = tpu.sem_alloc : memref<!tpu.dma_semaphore, #tpu.memory_space<semaphore_mem>>
      %dma_start3A_98 = arith.constant 0 : i32
      %dma_start3A_99 = arith.constant 0 : i32
      %dma_start3A_100 = tpu.memref_slice %arg13[%run_scoped3A, %dma_start3A_98, %dma_start3A_99] : memref<2x40x384xi32, #tpu.memory_space<vmem>> -> memref<1x40x384xi32, #tpu.memory_space<vmem>>
      %dma_start3A_101 = tpu.memref_squeeze %dma_start3A_100 : memref<1x40x384xi32, #tpu.memory_space<vmem>> -> memref<40x384xi32, #tpu.memory_space<vmem>>
      %dma_start3A_102 = arith.constant 0 : i32
      %dma_start3A_103 = tpu.memref_slice %arg7[%add3A_30, %dma_start3A_102] : memref<5120x384xi32, #tpu.memory_space<hbm>> -> memref<40x384xi32, #tpu.memory_space<hbm>>
      %dma_start3A_104 = arith.constant 0 : i32
      %dma_start3A_105 = tpu.memref_slice %arg7[%add3A_30, %dma_start3A_104] : memref<5120x384xi32, #tpu.memory_space<hbm>> -> memref<40x384xi32, #tpu.memory_space<hbm>>
      %dma_start3A_106 = arith.constant 0 : i32
      %dma_start3A_107 = arith.constant 0 : i32
      %dma_start3A_108 = tpu.memref_slice %arg13[%run_scoped3A, %dma_start3A_106, %dma_start3A_107] : memref<2x40x384xi32, #tpu.memory_space<vmem>> -> memref<1x40x384xi32, #tpu.memory_space<vmem>>
      %dma_start3A_109 = tpu.memref_squeeze %dma_start3A_108 : memref<1x40x384xi32, #tpu.memory_space<vmem>> -> memref<40x384xi32, #tpu.memory_space<vmem>>
      tpu.enqueue_dma source(%dma_start3A_109 : memref<40x384xi32, #tpu.memory_space<vmem>>) target(%dma_start3A_105 : memref<40x384xi32, #tpu.memory_space<hbm>>) target_semaphore(%run_scoped3A_97 : memref<!tpu.dma_semaphore, #tpu.memory_space<semaphore_mem>>)
      %dma_wait3A_110 = arith.constant 0 : i32
      %dma_wait3A_111 = arith.constant 0 : i32
      %dma_wait3A_112 = tpu.memref_slice %arg13[%run_scoped3A, %dma_wait3A_110, %dma_wait3A_111] : memref<2x40x384xi32, #tpu.memory_space<vmem>> -> memref<1x40x384xi32, #tpu.memory_space<vmem>>
      %dma_wait3A_113 = tpu.memref_squeeze %dma_wait3A_112 : memref<1x40x384xi32, #tpu.memory_space<vmem>> -> memref<40x384xi32, #tpu.memory_space<vmem>>
      %dma_wait3A_114 = arith.constant 0 : i32
      %dma_wait3A_115 = tpu.memref_slice %arg7[%add3A_30, %dma_wait3A_114] : memref<5120x384xi32, #tpu.memory_space<hbm>> -> memref<40x384xi32, #tpu.memory_space<hbm>>
      %dma_wait3A_116 = arith.constant 0 : i32
      %dma_wait3A_117 = tpu.memref_slice %arg7[%add3A_30, %dma_wait3A_116] : memref<5120x384xi32, #tpu.memory_space<hbm>> -> memref<40x384xi32, #tpu.memory_space<hbm>>
      %dma_wait3A_118 = arith.constant 0 : i32
      %dma_wait3A_119 = arith.constant 0 : i32
      %dma_wait3A_120 = tpu.memref_slice %arg13[%run_scoped3A, %dma_wait3A_118, %dma_wait3A_119] : memref<2x40x384xi32, #tpu.memory_space<vmem>> -> memref<1x40x384xi32, #tpu.memory_space<vmem>>
      %dma_wait3A_121 = tpu.memref_squeeze %dma_wait3A_120 : memref<1x40x384xi32, #tpu.memory_space<vmem>> -> memref<40x384xi32, #tpu.memory_space<vmem>>
      tpu.wait_dma2 semaphore(%run_scoped3A_97 : memref<!tpu.dma_semaphore, #tpu.memory_space<semaphore_mem>>) src(%dma_wait3A_121 : memref<40x384xi32, #tpu.memory_space<vmem>>) dst(%dma_wait3A_117 : memref<40x384xi32, #tpu.memory_space<hbm>>)
      tpu.yield
    }) : () -> ()
    %add3A_39 = arith.constant 80 : i32
    %add3A_40 = arith.addi %mul3A_7, %add3A_39 : i32
    %dma_start3A_41 = arith.constant 0 : i32
    %dma_start3A_42 = arith.constant 0 : i32
    %dma_start3A_43 = arith.constant 0 : i32
    %dma_start3A_44 = tpu.memref_slice %arg13[%dma_start3A_41, %dma_start3A_42, %dma_start3A_43] : memref<2x40x384xi32, #tpu.memory_space<vmem>> -> memref<1x40x384xi32, #tpu.memory_space<vmem>>
    %dma_start3A_45 = tpu.memref_squeeze %dma_start3A_44 : memref<1x40x384xi32, #tpu.memory_space<vmem>> -> memref<40x384xi32, #tpu.memory_space<vmem>>
    %dma_start3A_46 = tpu.memref_slice %arg11[%add3A_40] : memref<5120xi32, #tpu.memory_space<vmem>> -> memref<40xi32, #tpu.memory_space<vmem>>
    %dma_start3A_47 = arith.constant 0 : i32
    %dma_start3A_48 = arith.constant 0 : i32
    %dma_start3A_49 = tpu.memref_slice %arg6[%dma_start3A_47, %dma_start3A_48] : memref<2048x384xi32, #tpu.memory_space<hbm>> -> memref<2048x384xi32, #tpu.memory_space<hbm>>
    tpu.enqueue_indirect_dma source(%dma_start3A_49 : memref<2048x384xi32, #tpu.memory_space<hbm>>) target(%dma_start3A_45 : memref<40x384xi32, #tpu.memory_space<vmem>>) offsets(%dma_start3A_46 : memref<40xi32, #tpu.memory_space<vmem>>) semaphore(%arg14 : memref<!tpu.dma_semaphore, #tpu.memory_space<semaphore_mem>>)
    %add3A_50 = arith.constant 40 : i32
    %add3A_51 = arith.addi %mul3A_7, %add3A_50 : i32
    %dma_wait3A_52 = arith.constant 1 : i32
    %dma_wait3A_53 = arith.constant 0 : i32
    %dma_wait3A_54 = arith.constant 0 : i32
    %dma_wait3A_55 = tpu.memref_slice %arg13[%dma_wait3A_52, %dma_wait3A_53, %dma_wait3A_54] : memref<2x40x384xi32, #tpu.memory_space<vmem>> -> memref<1x40x384xi32, #tpu.memory_space<vmem>>
    %dma_wait3A_56 = tpu.memref_squeeze %dma_wait3A_55 : memref<1x40x384xi32, #tpu.memory_space<vmem>> -> memref<40x384xi32, #tpu.memory_space<vmem>>
    %dma_wait3A_57 = tpu.memref_slice %arg11[%add3A_19] : memref<5120xi32, #tpu.memory_space<vmem>> -> memref<40xi32, #tpu.memory_space<vmem>>
    %dma_wait3A_58 = arith.constant 0 : i32
    %dma_wait3A_59 = arith.constant 0 : i32
    %dma_wait3A_60 = tpu.memref_slice %arg6[%dma_wait3A_58, %dma_wait3A_59] : memref<2048x384xi32, #tpu.memory_space<hbm>> -> memref<2048x384xi32, #tpu.memory_space<hbm>>
    tpu.wait_indirect_dma semaphore(%arg14 : memref<!tpu.dma_semaphore, #tpu.memory_space<semaphore_mem>>) src(%dma_wait3A_60 : memref<2048x384xi32, #tpu.memory_space<hbm>>) dst(%dma_wait3A_56 : memref<40x384xi32, #tpu.memory_space<vmem>>)
    %run_scoped3A_61 = arith.constant 1 : i32
    "tpu.region"() ({
      %run_scoped3A_97 = tpu.sem_alloc : memref<!tpu.dma_semaphore, #tpu.memory_space<semaphore_mem>>
      %dma_start3A_98 = arith.constant 0 : i32
      %dma_start3A_99 = arith.constant 0 : i32
      %dma_start3A_100 = tpu.memref_slice %arg13[%run_scoped3A_61, %dma_start3A_98, %dma_start3A_99] : memref<2x40x384xi32, #tpu.memory_space<vmem>> -> memref<1x40x384xi32, #tpu.memory_space<vmem>>
      %dma_start3A_101 = tpu.memref_squeeze %dma_start3A_100 : memref<1x40x384xi32, #tpu.memory_space<vmem>> -> memref<40x384xi32, #tpu.memory_space<vmem>>
      %dma_start3A_102 = arith.constant 0 : i32
      %dma_start3A_103 = tpu.memref_slice %arg7[%add3A_51, %dma_start3A_102] : memref<5120x384xi32, #tpu.memory_space<hbm>> -> memref<40x384xi32, #tpu.memory_space<hbm>>
      %dma_start3A_104 = arith.constant 0 : i32
      %dma_start3A_105 = tpu.memref_slice %arg7[%add3A_51, %dma_start3A_104] : memref<5120x384xi32, #tpu.memory_space<hbm>> -> memref<40x384xi32, #tpu.memory_space<hbm>>
      %dma_start3A_106 = arith.constant 0 : i32
      %dma_start3A_107 = arith.constant 0 : i32
      %dma_start3A_108 = tpu.memref_slice %arg13[%run_scoped3A_61, %dma_start3A_106, %dma_start3A_107] : memref<2x40x384xi32, #tpu.memory_space<vmem>> -> memref<1x40x384xi32, #tpu.memory_space<vmem>>
      %dma_start3A_109 = tpu.memref_squeeze %dma_start3A_108 : memref<1x40x384xi32, #tpu.memory_space<vmem>> -> memref<40x384xi32, #tpu.memory_space<vmem>>
      tpu.enqueue_dma source(%dma_start3A_109 : memref<40x384xi32, #tpu.memory_space<vmem>>) target(%dma_start3A_105 : memref<40x384xi32, #tpu.memory_space<hbm>>) target_semaphore(%run_scoped3A_97 : memref<!tpu.dma_semaphore, #tpu.memory_space<semaphore_mem>>)
      %dma_wait3A_110 = arith.constant 0 : i32
      %dma_wait3A_111 = arith.constant 0 : i32
      %dma_wait3A_112 = tpu.memref_slice %arg13[%run_scoped3A_61, %dma_wait3A_110, %dma_wait3A_111] : memref<2x40x384xi32, #tpu.memory_space<vmem>> -> memref<1x40x384xi32, #tpu.memory_space<vmem>>
      %dma_wait3A_113 = tpu.memref_squeeze %dma_wait3A_112 : memref<1x40x384xi32, #tpu.memory_space<vmem>> -> memref<40x384xi32, #tpu.memory_space<vmem>>
      %dma_wait3A_114 = arith.constant 0 : i32
      %dma_wait3A_115 = tpu.memref_slice %arg7[%add3A_51, %dma_wait3A_114] : memref<5120x384xi32, #tpu.memory_space<hbm>> -> memref<40x384xi32, #tpu.memory_space<hbm>>
      %dma_wait3A_116 = arith.constant 0 : i32
      %dma_wait3A_117 = tpu.memref_slice %arg7[%add3A_51, %dma_wait3A_116] : memref<5120x384xi32, #tpu.memory_space<hbm>> -> memref<40x384xi32, #tpu.memory_space<hbm>>
      %dma_wait3A_118 = arith.constant 0 : i32
      %dma_wait3A_119 = arith.constant 0 : i32
      %dma_wait3A_120 = tpu.memref_slice %arg13[%run_scoped3A_61, %dma_wait3A_118, %dma_wait3A_119] : memref<2x40x384xi32, #tpu.memory_space<vmem>> -> memref<1x40x384xi32, #tpu.memory_space<vmem>>
      %dma_wait3A_121 = tpu.memref_squeeze %dma_wait3A_120 : memref<1x40x384xi32, #tpu.memory_space<vmem>> -> memref<40x384xi32, #tpu.memory_space<vmem>>
      tpu.wait_dma2 semaphore(%run_scoped3A_97 : memref<!tpu.dma_semaphore, #tpu.memory_space<semaphore_mem>>) src(%dma_wait3A_121 : memref<40x384xi32, #tpu.memory_space<vmem>>) dst(%dma_wait3A_117 : memref<40x384xi32, #tpu.memory_space<hbm>>)
      tpu.yield
    }) : () -> ()
    %add3A_62 = arith.constant 120 : i32
    %add3A_63 = arith.addi %mul3A_7, %add3A_62 : i32
    %dma_start3A_64 = arith.constant 1 : i32
    %dma_start3A_65 = arith.constant 0 : i32
    %dma_start3A_66 = arith.constant 0 : i32
    %dma_start3A_67 = tpu.memref_slice %arg13[%dma_start3A_64, %dma_start3A_65, %dma_start3A_66] : memref<2x40x384xi32, #tpu.memory_space<vmem>> -> memref<1x40x384xi32, #tpu.memory_space<vmem>>
    %dma_start3A_68 = tpu.memref_squeeze %dma_start3A_67 : memref<1x40x384xi32, #tpu.memory_space<vmem>> -> memref<40x384xi32, #tpu.memory_space<vmem>>
    %dma_start3A_69 = tpu.memref_slice %arg11[%add3A_63] : memref<5120xi32, #tpu.memory_space<vmem>> -> memref<40xi32, #tpu.memory_space<vmem>>
    %dma_start3A_70 = arith.constant 0 : i32
    %dma_start3A_71 = arith.constant 0 : i32
    %dma_start3A_72 = tpu.memref_slice %arg6[%dma_start3A_70, %dma_start3A_71] : memref<2048x384xi32, #tpu.memory_space<hbm>> -> memref<2048x384xi32, #tpu.memory_space<hbm>>
    tpu.enqueue_indirect_dma source(%dma_start3A_72 : memref<2048x384xi32, #tpu.memory_space<hbm>>) target(%dma_start3A_68 : memref<40x384xi32, #tpu.memory_space<vmem>>) offsets(%dma_start3A_69 : memref<40xi32, #tpu.memory_space<vmem>>) semaphore(%arg14 : memref<!tpu.dma_semaphore, #tpu.memory_space<semaphore_mem>>)
    %add3A_73 = arith.constant 80 : i32
    %add3A_74 = arith.addi %mul3A_7, %add3A_73 : i32
    %dma_wait3A_75 = arith.constant 0 : i32
    %dma_wait3A_76 = arith.constant 0 : i32
    %dma_wait3A_77 = arith.constant 0 : i32
    %dma_wait3A_78 = tpu.memref_slice %arg13[%dma_wait3A_75, %dma_wait3A_76, %dma_wait3A_77] : memref<2x40x384xi32, #tpu.memory_space<vmem>> -> memref<1x40x384xi32, #tpu.memory_space<vmem>>
    %dma_wait3A_79 = tpu.memref_squeeze %dma_wait3A_78 : memref<1x40x384xi32, #tpu.memory_space<vmem>> -> memref<40x384xi32, #tpu.memory_space<vmem>>
    %dma_wait3A_80 = tpu.memref_slice %arg11[%add3A_40] : memref<5120xi32, #tpu.memory_space<vmem>> -> memref<40xi32, #tpu.memory_space<vmem>>
    %dma_wait3A_81 = arith.constant 0 : i32
    %dma_wait3A_82 = arith.constant 0 : i32
    %dma_wait3A_83 = tpu.memref_slice %arg6[%dma_wait3A_81, %dma_wait3A_82] : memref<2048x384xi32, #tpu.memory_space<hbm>> -> memref<2048x384xi32, #tpu.memory_space<hbm>>
    tpu.wait_indirect_dma semaphore(%arg14 : memref<!tpu.dma_semaphore, #tpu.memory_space<semaphore_mem>>) src(%dma_wait3A_83 : memref<2048x384xi32, #tpu.memory_space<hbm>>) dst(%dma_wait3A_79 : memref<40x384xi32, #tpu.memory_space<vmem>>)
    %run_scoped3A_84 = arith.constant 0 : i32
    "tpu.region"() ({
      %run_scoped3A_97 = tpu.sem_alloc : memref<!tpu.dma_semaphore, #tpu.memory_space<semaphore_mem>>
      %dma_start3A_98 = arith.constant 0 : i32
      %dma_start3A_99 = arith.constant 0 : i32
      %dma_start3A_100 = tpu.memref_slice %arg13[%run_scoped3A_84, %dma_start3A_98, %dma_start3A_99] : memref<2x40x384xi32, #tpu.memory_space<vmem>> -> memref<1x40x384xi32, #tpu.memory_space<vmem>>
      %dma_start3A_101 = tpu.memref_squeeze %dma_start3A_100 : memref<1x40x384xi32, #tpu.memory_space<vmem>> -> memref<40x384xi32, #tpu.memory_space<vmem>>
      %dma_start3A_102 = arith.constant 0 : i32
      %dma_start3A_103 = tpu.memref_slice %arg7[%add3A_74, %dma_start3A_102] : memref<5120x384xi32, #tpu.memory_space<hbm>> -> memref<40x384xi32, #tpu.memory_space<hbm>>
      %dma_start3A_104 = arith.constant 0 : i32
      %dma_start3A_105 = tpu.memref_slice %arg7[%add3A_74, %dma_start3A_104] : memref<5120x384xi32, #tpu.memory_space<hbm>> -> memref<40x384xi32, #tpu.memory_space<hbm>>
      %dma_start3A_106 = arith.constant 0 : i32
      %dma_start3A_107 = arith.constant 0 : i32
      %dma_start3A_108 = tpu.memref_slice %arg13[%run_scoped3A_84, %dma_start3A_106, %dma_start3A_107] : memref<2x40x384xi32, #tpu.memory_space<vmem>> -> memref<1x40x384xi32, #tpu.memory_space<vmem>>
      %dma_start3A_109 = tpu.memref_squeeze %dma_start3A_108 : memref<1x40x384xi32, #tpu.memory_space<vmem>> -> memref<40x384xi32, #tpu.memory_space<vmem>>
      tpu.enqueue_dma source(%dma_start3A_109 : memref<40x384xi32, #tpu.memory_space<vmem>>) target(%dma_start3A_105 : memref<40x384xi32, #tpu.memory_space<hbm>>) target_semaphore(%run_scoped3A_97 : memref<!tpu.dma_semaphore, #tpu.memory_space<semaphore_mem>>)
      %dma_wait3A_110 = arith.constant 0 : i32
      %dma_wait3A_111 = arith.constant 0 : i32
      %dma_wait3A_112 = tpu.memref_slice %arg13[%run_scoped3A_84, %dma_wait3A_110, %dma_wait3A_111] : memref<2x40x384xi32, #tpu.memory_space<vmem>> -> memref<1x40x384xi32, #tpu.memory_space<vmem>>
      %dma_wait3A_113 = tpu.memref_squeeze %dma_wait3A_112 : memref<1x40x384xi32, #tpu.memory_space<vmem>> -> memref<40x384xi32, #tpu.memory_space<vmem>>
      %dma_wait3A_114 = arith.constant 0 : i32
      %dma_wait3A_115 = tpu.memref_slice %arg7[%add3A_74, %dma_wait3A_114] : memref<5120x384xi32, #tpu.memory_space<hbm>> -> memref<40x384xi32, #tpu.memory_space<hbm>>
      %dma_wait3A_116 = arith.constant 0 : i32
      %dma_wait3A_117 = tpu.memref_slice %arg7[%add3A_74, %dma_wait3A_116] : memref<5120x384xi32, #tpu.memory_space<hbm>> -> memref<40x384xi32, #tpu.memory_space<hbm>>
      %dma_wait3A_118 = arith.constant 0 : i32
      %dma_wait3A_119 = arith.constant 0 : i32
      %dma_wait3A_120 = tpu.memref_slice %arg13[%run_scoped3A_84, %dma_wait3A_118, %dma_wait3A_119] : memref<2x40x384xi32, #tpu.memory_space<vmem>> -> memref<1x40x384xi32, #tpu.memory_space<vmem>>
      %dma_wait3A_121 = tpu.memref_squeeze %dma_wait3A_120 : memref<1x40x384xi32, #tpu.memory_space<vmem>> -> memref<40x384xi32, #tpu.memory_space<vmem>>
      tpu.wait_dma2 semaphore(%run_scoped3A_97 : memref<!tpu.dma_semaphore, #tpu.memory_space<semaphore_mem>>) src(%dma_wait3A_121 : memref<40x384xi32, #tpu.memory_space<vmem>>) dst(%dma_wait3A_117 : memref<40x384xi32, #tpu.memory_space<hbm>>)
      tpu.yield
    }) : () -> ()
    %dma_wait3A_85 = arith.constant 1 : i32
    %dma_wait3A_86 = arith.constant 0 : i32
    %dma_wait3A_87 = arith.constant 0 : i32
    %dma_wait3A_88 = tpu.memref_slice %arg13[%dma_wait3A_85, %dma_wait3A_86, %dma_wait3A_87] : memref<2x40x384xi32, #tpu.memory_space<vmem>> -> memref<1x40x384xi32, #tpu.memory_space<vmem>>
    %dma_wait3A_89 = tpu.memref_squeeze %dma_wait3A_88 : memref<1x40x384xi32, #tpu.memory_space<vmem>> -> memref<40x384xi32, #tpu.memory_space<vmem>>
    %dma_wait3A_90 = tpu.memref_slice %arg11[%add3A_63] : memref<5120xi32, #tpu.memory_space<vmem>> -> memref<40xi32, #tpu.memory_space<vmem>>
    %dma_wait3A_91 = arith.constant 0 : i32
    %dma_wait3A_92 = arith.constant 0 : i32
    %dma_wait3A_93 = tpu.memref_slice %arg6[%dma_wait3A_91, %dma_wait3A_92] : memref<2048x384xi32, #tpu.memory_space<hbm>> -> memref<2048x384xi32, #tpu.memory_space<hbm>>
    tpu.wait_indirect_dma semaphore(%arg14 : memref<!tpu.dma_semaphore, #tpu.memory_space<semaphore_mem>>) src(%dma_wait3A_93 : memref<2048x384xi32, #tpu.memory_space<hbm>>) dst(%dma_wait3A_89 : memref<40x384xi32, #tpu.memory_space<vmem>>)
    %add3A_94 = arith.constant 120 : i32
    %add3A_95 = arith.addi %mul3A_7, %add3A_94 : i32
    %run_scoped3A_96 = arith.constant 1 : i32
    "tpu.region"() ({
      %run_scoped3A_97 = tpu.sem_alloc : memref<!tpu.dma_semaphore, #tpu.memory_space<semaphore_mem>>
      %dma_start3A_98 = arith.constant 0 : i32
      %dma_start3A_99 = arith.constant 0 : i32
      %dma_start3A_100 = tpu.memref_slice %arg13[%run_scoped3A_96, %dma_start3A_98, %dma_start3A_99] : memref<2x40x384xi32, #tpu.memory_space<vmem>> -> memref<1x40x384xi32, #tpu.memory_space<vmem>>
      %dma_start3A_101 = tpu.memref_squeeze %dma_start3A_100 : memref<1x40x384xi32, #tpu.memory_space<vmem>> -> memref<40x384xi32, #tpu.memory_space<vmem>>
      %dma_start3A_102 = arith.constant 0 : i32
      %dma_start3A_103 = tpu.memref_slice %arg7[%add3A_95, %dma_start3A_102] : memref<5120x384xi32, #tpu.memory_space<hbm>> -> memref<40x384xi32, #tpu.memory_space<hbm>>
      %dma_start3A_104 = arith.constant 0 : i32
      %dma_start3A_105 = tpu.memref_slice %arg7[%add3A_95, %dma_start3A_104] : memref<5120x384xi32, #tpu.memory_space<hbm>> -> memref<40x384xi32, #tpu.memory_space<hbm>>
      %dma_start3A_106 = arith.constant 0 : i32
      %dma_start3A_107 = arith.constant 0 : i32
      %dma_start3A_108 = tpu.memref_slice %arg13[%run_scoped3A_96, %dma_start3A_106, %dma_start3A_107] : memref<2x40x384xi32, #tpu.memory_space<vmem>> -> memref<1x40x384xi32, #tpu.memory_space<vmem>>
      %dma_start3A_109 = tpu.memref_squeeze %dma_start3A_108 : memref<1x40x384xi32, #tpu.memory_space<vmem>> -> memref<40x384xi32, #tpu.memory_space<vmem>>
      tpu.enqueue_dma source(%dma_start3A_109 : memref<40x384xi32, #tpu.memory_space<vmem>>) target(%dma_start3A_105 : memref<40x384xi32, #tpu.memory_space<hbm>>) target_semaphore(%run_scoped3A_97 : memref<!tpu.dma_semaphore, #tpu.memory_space<semaphore_mem>>)
      %dma_wait3A_110 = arith.constant 0 : i32
      %dma_wait3A_111 = arith.constant 0 : i32
      %dma_wait3A_112 = tpu.memref_slice %arg13[%run_scoped3A_96, %dma_wait3A_110, %dma_wait3A_111] : memref<2x40x384xi32, #tpu.memory_space<vmem>> -> memref<1x40x384xi32, #tpu.memory_space<vmem>>
      %dma_wait3A_113 = tpu.memref_squeeze %dma_wait3A_112 : memref<1x40x384xi32, #tpu.memory_space<vmem>> -> memref<40x384xi32, #tpu.memory_space<vmem>>
      %dma_wait3A_114 = arith.constant 0 : i32
      %dma_wait3A_115 = tpu.memref_slice %arg7[%add3A_95, %dma_wait3A_114] : memref<5120x384xi32, #tpu.memory_space<hbm>> -> memref<40x384xi32, #tpu.memory_space<hbm>>
      %dma_wait3A_116 = arith.constant 0 : i32
      %dma_wait3A_117 = tpu.memref_slice %arg7[%add3A_95, %dma_wait3A_116] : memref<5120x384xi32, #tpu.memory_space<hbm>> -> memref<40x384xi32, #tpu.memory_space<hbm>>
      %dma_wait3A_118 = arith.constant 0 : i32
      %dma_wait3A_119 = arith.constant 0 : i32
      %dma_wait3A_120 = tpu.memref_slice %arg13[%run_scoped3A_96, %dma_wait3A_118, %dma_wait3A_119] : memref<2x40x384xi32, #tpu.memory_space<vmem>> -> memref<1x40x384xi32, #tpu.memory_space<vmem>>
      %dma_wait3A_121 = tpu.memref_squeeze %dma_wait3A_120 : memref<1x40x384xi32, #tpu.memory_space<vmem>> -> memref<40x384xi32, #tpu.memory_space<vmem>>
      tpu.wait_dma2 semaphore(%run_scoped3A_97 : memref<!tpu.dma_semaphore, #tpu.memory_space<semaphore_mem>>) src(%dma_wait3A_121 : memref<40x384xi32, #tpu.memory_space<vmem>>) dst(%dma_wait3A_117 : memref<40x384xi32, #tpu.memory_space<hbm>>)
      tpu.yield
    }) : () -> ()
    return
  }
}

module attributes {stable_mosaic.version = 14 : i64} {
  func.func @_router_body(%arg0: memref<2048x768xf32, #tpu.memory_space<vmem>>, %arg1: memref<8x768xf32, #tpu.memory_space<vmem>>, %arg2: memref<2048x2xi32, #tpu.memory_space<vmem>>, %arg3: memref<2048x2xi32, #tpu.memory_space<vmem>>, %arg4: memref<2048x2xf32, #tpu.memory_space<vmem>>, %arg5: memref<2048x384xi32, #tpu.memory_space<vmem>>, %arg6: memref<1x1xf32, #tpu.memory_space<vmem>>) attributes {dimension_semantics = [], scalar_prefetch = 0 : i64, scratch_operands = 0 : i64, tpu.core_type = #tpu.core_type<tc>} {
    %get3A = arith.constant 0 : index
    %get3A_0 = arith.constant 0 : index
    %get3A_1 = vector.load %arg0[%get3A, %get3A_0] : memref<2048x768xf32, #tpu.memory_space<vmem>>, vector<2048x768xf32>
    %get3A_2 = arith.constant 0 : index
    %get3A_3 = arith.constant 0 : index
    %get3A_4 = vector.load %arg1[%get3A_2, %get3A_3] : memref<8x768xf32, #tpu.memory_space<vmem>>, vector<8x768xf32>
    %dot_general3A = arith.constant dense<0.000000e+00> : vector<2048x8xf32>
    %dot_general3A_5 = tpu.matmul %get3A_1, %get3A_4, %dot_general3A {dimension_numbers = #tpu.dot_dimension_numbers<[1], [1], [0], [0], [0, 0, 1, 0], [], []>, transpose_lhs_hint = false} : vector<2048x768xf32>, vector<8x768xf32>, vector<2048x8xf32> -> vector<2048x8xf32>
    %iota3A = tpu.iota {dimensions = array<i32: 1>} : vector<2048x8xi32>
    %reduce_max3A = arith.constant dense<0xFF800000> : vector<2048xf32>
    %reduce_max3A_6 = vector.multi_reduction <maximumf>, %dot_general3A_5, %reduce_max3A [1] : vector<2048x8xf32> to vector<2048xf32>
    %broadcast_in_dim3A = vector.shape_cast %reduce_max3A_6 : vector<2048xf32> to vector<2048x1xf32>
    %eq3A = vector.broadcast %broadcast_in_dim3A : vector<2048x1xf32> to vector<2048x8xf32>
    %eq3A_7 = arith.cmpf oeq, %dot_general3A_5, %eq3A : vector<2048x8xf32>
    %jit3A = arith.constant 8 : i32
    %broadcast_in_dim3A_8 = vector.broadcast %jit3A : i32 to vector<2048x8xi32>
    %select_n3A = arith.select %eq3A_7, %iota3A, %broadcast_in_dim3A_8 : vector<2048x8xi1>, vector<2048x8xi32>
    %reduce_min3A = arith.constant dense<2147483647> : vector<2048xi32>
    %reduce_min3A_9 = vector.multi_reduction <minsi>, %select_n3A, %reduce_min3A [1] : vector<2048x8xi32> to vector<2048xi32>
    %broadcast_in_dim3A_10 = vector.shape_cast %reduce_min3A_9 : vector<2048xi32> to vector<2048x1xi32>
    %eq3A_11 = vector.broadcast %broadcast_in_dim3A_10 : vector<2048x1xi32> to vector<2048x8xi32>
    %eq3A_12 = arith.cmpi eq, %iota3A, %eq3A_11 : vector<2048x8xi32>
    %jit3A_13 = arith.constant 0xFF800000 : f32
    %broadcast_in_dim3A_14 = vector.broadcast %jit3A_13 : f32 to vector<2048x8xf32>
    %select_n3A_15 = arith.select %eq3A_12, %broadcast_in_dim3A_14, %dot_general3A_5 : vector<2048x8xi1>, vector<2048x8xf32>
    %reduce_max3A_16 = arith.constant dense<0xFF800000> : vector<2048xf32>
    %reduce_max3A_17 = vector.multi_reduction <maximumf>, %select_n3A_15, %reduce_max3A_16 [1] : vector<2048x8xf32> to vector<2048xf32>
    %broadcast_in_dim3A_18 = vector.shape_cast %reduce_max3A_17 : vector<2048xf32> to vector<2048x1xf32>
    %eq3A_19 = vector.broadcast %broadcast_in_dim3A_18 : vector<2048x1xf32> to vector<2048x8xf32>
    %eq3A_20 = arith.cmpf oeq, %select_n3A_15, %eq3A_19 : vector<2048x8xf32>
    %jit3A_21 = arith.constant 8 : i32
    %broadcast_in_dim3A_22 = vector.broadcast %jit3A_21 : i32 to vector<2048x8xi32>
    %select_n3A_23 = arith.select %eq3A_20, %iota3A, %broadcast_in_dim3A_22 : vector<2048x8xi1>, vector<2048x8xi32>
    %reduce_min3A_24 = arith.constant dense<2147483647> : vector<2048xi32>
    %reduce_min3A_25 = vector.multi_reduction <minsi>, %select_n3A_23, %reduce_min3A_24 [1] : vector<2048x8xi32> to vector<2048xi32>
    %broadcast_in_dim3A_26 = vector.shape_cast %reduce_min3A_25 : vector<2048xi32> to vector<2048x1xi32>
    %sub3A = arith.subf %broadcast_in_dim3A_18, %broadcast_in_dim3A : vector<2048x1xf32>
    %exp3A = math.exp %sub3A : vector<2048x1xf32>
    %add3A = arith.constant 1.000000e+00 : f32
    %add3A_27 = vector.broadcast %add3A : f32 to vector<2048x1xf32>
    %add3A_28 = arith.addf %add3A_27, %exp3A : vector<2048x1xf32>
    %div3A = arith.constant 1.000000e+00 : f32
    %div3A_29 = vector.broadcast %div3A : f32 to vector<2048x1xf32>
    %div3A_30 = arith.divf %div3A_29, %add3A_28 : vector<2048x1xf32>
    %sub3A_31 = arith.constant 1.000000e+00 : f32
    %sub3A_32 = vector.broadcast %sub3A_31 : f32 to vector<2048x1xf32>
    %sub3A_33 = arith.subf %sub3A_32, %div3A_30 : vector<2048x1xf32>
    %eq3A_34 = vector.broadcast %broadcast_in_dim3A_10 : vector<2048x1xi32> to vector<2048x8xi32>
    %eq3A_35 = arith.cmpi eq, %iota3A, %eq3A_34 : vector<2048x8xi32>
    %convert_element_type3A = arith.extui %eq3A_35 : vector<2048x8xi1> to vector<2048x8xi32>
    %convert_element_type3A_36 = arith.sitofp %convert_element_type3A : vector<2048x8xi32> to vector<2048x8xf32>
    %eq3A_37 = vector.broadcast %broadcast_in_dim3A_26 : vector<2048x1xi32> to vector<2048x8xi32>
    %eq3A_38 = arith.cmpi eq, %iota3A, %eq3A_37 : vector<2048x8xi32>
    %convert_element_type3A_39 = arith.extui %eq3A_38 : vector<2048x8xi1> to vector<2048x8xi32>
    %convert_element_type3A_40 = arith.sitofp %convert_element_type3A_39 : vector<2048x8xi32> to vector<2048x8xf32>
    %add3A_41 = arith.addf %convert_element_type3A_36, %convert_element_type3A_40 : vector<2048x8xf32>
    %iota3A_42 = tpu.iota {dimensions = array<i32: 0>} : vector<2048x2048xi32>
    %iota3A_43 = tpu.iota {dimensions = array<i32: 1>} : vector<2048x2048xi32>
    %gt3A = arith.cmpi sgt, %iota3A_42, %iota3A_43 : vector<2048x2048xi32>
    %convert_element_type3A_44 = arith.extui %gt3A : vector<2048x2048xi1> to vector<2048x2048xi32>
    %convert_element_type3A_45 = arith.sitofp %convert_element_type3A_44 : vector<2048x2048xi32> to vector<2048x2048xf32>
    %dot_general3A_46 = arith.constant dense<0.000000e+00> : vector<2048x8xf32>
    %dot_general3A_47 = tpu.matmul %convert_element_type3A_45, %add3A_41, %dot_general3A_46 {dimension_numbers = #tpu.dot_dimension_numbers<[1], [0], [0], [1], [0, 0, 1, 1], [], []>, transpose_lhs_hint = false} : vector<2048x2048xf32>, vector<2048x8xf32>, vector<2048x8xf32> -> vector<2048x8xf32>
    %mul3A = arith.mulf %convert_element_type3A_36, %dot_general3A_47 : vector<2048x8xf32>
    %reduce_sum3A = arith.constant dense<0.000000e+00> : vector<2048xf32>
    %reduce_sum3A_48 = vector.multi_reduction <add>, %mul3A, %reduce_sum3A [1] : vector<2048x8xf32> to vector<2048xf32>
    %broadcast_in_dim3A_49 = vector.shape_cast %reduce_sum3A_48 : vector<2048xf32> to vector<2048x1xf32>
    %convert_element_type3A_50 = arith.fptosi %broadcast_in_dim3A_49 : vector<2048x1xf32> to vector<2048x1xi32>
    %mul3A_51 = arith.mulf %convert_element_type3A_40, %dot_general3A_47 : vector<2048x8xf32>
    %reduce_sum3A_52 = arith.constant dense<0.000000e+00> : vector<2048xf32>
    %reduce_sum3A_53 = vector.multi_reduction <add>, %mul3A_51, %reduce_sum3A_52 [1] : vector<2048x8xf32> to vector<2048xf32>
    %broadcast_in_dim3A_54 = vector.shape_cast %reduce_sum3A_53 : vector<2048xf32> to vector<2048x1xf32>
    %convert_element_type3A_55 = arith.fptosi %broadcast_in_dim3A_54 : vector<2048x1xf32> to vector<2048x1xi32>
    %reduce_sum3A_56 = arith.constant dense<0.000000e+00> : vector<8xf32>
    %reduce_sum3A_57 = vector.multi_reduction <add>, %add3A_41, %reduce_sum3A_56 [0] : vector<2048x8xf32> to vector<8xf32>
    %broadcast_in_dim3A_58 = vector.shape_cast %reduce_sum3A_57 : vector<8xf32> to vector<1x8xf32>
    %iota3A_59 = tpu.iota {dimensions = array<i32: 1>} : vector<1x8xi32>
    %reduce_min3A_60 = arith.constant dense<0x7F800000> : vector<1xf32>
    %reduce_min3A_61 = vector.multi_reduction <minimumf>, %broadcast_in_dim3A_58, %reduce_min3A_60 [1] : vector<1x8xf32> to vector<1xf32>
    %broadcast_in_dim3A_62 = vector.shape_cast %reduce_min3A_61 : vector<1xf32> to vector<1x1xf32>
    %eq3A_63 = vector.broadcast %broadcast_in_dim3A_62 : vector<1x1xf32> to vector<1x8xf32>
    %eq3A_64 = arith.cmpf oeq, %broadcast_in_dim3A_58, %eq3A_63 : vector<1x8xf32>
    %jit3A_65 = arith.constant 8 : i32
    %broadcast_in_dim3A_66 = vector.broadcast %jit3A_65 : i32 to vector<1x8xi32>
    %select_n3A_67 = arith.select %eq3A_64, %iota3A_59, %broadcast_in_dim3A_66 : vector<1x8xi1>, vector<1x8xi32>
    %reduce_min3A_68 = arith.constant dense<2147483647> : vector<1xi32>
    %reduce_min3A_69 = vector.multi_reduction <minsi>, %select_n3A_67, %reduce_min3A_68 [1] : vector<1x8xi32> to vector<1xi32>
    %broadcast_in_dim3A_70 = vector.shape_cast %reduce_min3A_69 : vector<1xi32> to vector<1x1xi32>
    %mul3A_71 = arith.constant 640 : i32
    %mul3A_72 = vector.broadcast %mul3A_71 : i32 to vector<1x1xi32>
    %mul3A_73 = arith.muli %broadcast_in_dim3A_70, %mul3A_72 : vector<1x1xi32>
    %add3A_74 = arith.constant 639 : i32
    %add3A_75 = vector.broadcast %add3A_74 : i32 to vector<1x1xi32>
    %add3A_76 = arith.addi %mul3A_73, %add3A_75 : vector<1x1xi32>
    %lt3A = arith.constant 640 : i32
    %lt3A_77 = vector.broadcast %lt3A : i32 to vector<2048x1xi32>
    %lt3A_78 = arith.cmpi slt, %convert_element_type3A_50, %lt3A_77 : vector<2048x1xi32>
    %lt3A_79 = arith.constant 640 : i32
    %lt3A_80 = vector.broadcast %lt3A_79 : i32 to vector<2048x1xi32>
    %lt3A_81 = arith.cmpi slt, %convert_element_type3A_55, %lt3A_80 : vector<2048x1xi32>
    %mul3A_82 = arith.constant 640 : i32
    %mul3A_83 = vector.broadcast %mul3A_82 : i32 to vector<2048x1xi32>
    %mul3A_84 = arith.muli %broadcast_in_dim3A_10, %mul3A_83 : vector<2048x1xi32>
    %add3A_85 = arith.addi %mul3A_84, %convert_element_type3A_50 : vector<2048x1xi32>
    %mul3A_86 = arith.constant 640 : i32
    %mul3A_87 = vector.broadcast %mul3A_86 : i32 to vector<2048x1xi32>
    %mul3A_88 = arith.muli %broadcast_in_dim3A_26, %mul3A_87 : vector<2048x1xi32>
    %add3A_89 = arith.addi %mul3A_88, %convert_element_type3A_55 : vector<2048x1xi32>
    %jit3A_90 = arith.constant 5120 : i32
    %broadcast_in_dim3A_91 = vector.broadcast %jit3A_90 : i32 to vector<2048x1xi32>
    %select_n3A_92 = arith.select %lt3A_78, %add3A_85, %broadcast_in_dim3A_91 : vector<2048x1xi1>, vector<2048x1xi32>
    %swap3A = arith.constant 0 : index
    %swap3A_93 = arith.constant 0 : index
    %swap3A_94 = vector.load %arg2[%swap3A, %swap3A_93] : memref<2048x2xi32, #tpu.memory_space<vmem>>, vector<2048x1xi32>
    tpu.vector_store %arg2[%swap3A, %swap3A_93], %select_n3A_92 {strides = array<i32>} : memref<2048x2xi32, #tpu.memory_space<vmem>>, vector<2048x1xi32>,
    %jit3A_95 = arith.constant 5120 : i32
    %broadcast_in_dim3A_96 = vector.broadcast %jit3A_95 : i32 to vector<2048x1xi32>
    %select_n3A_97 = arith.select %lt3A_81, %add3A_89, %broadcast_in_dim3A_96 : vector<2048x1xi1>, vector<2048x1xi32>
    %swap3A_98 = arith.constant 0 : index
    %swap3A_99 = arith.constant 1 : index
    %swap3A_100 = vector.load %arg2[%swap3A_98, %swap3A_99] : memref<2048x2xi32, #tpu.memory_space<vmem>>, vector<2048x1xi32>
    tpu.vector_store %arg2[%swap3A_98, %swap3A_99], %select_n3A_97 {strides = array<i32>} : memref<2048x2xi32, #tpu.memory_space<vmem>>, vector<2048x1xi32>,
    %broadcast_in_dim3A_101 = vector.shape_cast %add3A_76 : vector<1x1xi32> to vector<1x1xi32>
    %broadcast_in_dim3A_102 = vector.broadcast %broadcast_in_dim3A_101 : vector<1x1xi32> to vector<2048x1xi32>
    %select_n3A_103 = arith.select %lt3A_78, %add3A_85, %broadcast_in_dim3A_102 : vector<2048x1xi1>, vector<2048x1xi32>
    %swap3A_104 = arith.constant 0 : index
    %swap3A_105 = arith.constant 0 : index
    %swap3A_106 = vector.load %arg3[%swap3A_104, %swap3A_105] : memref<2048x2xi32, #tpu.memory_space<vmem>>, vector<2048x1xi32>
    tpu.vector_store %arg3[%swap3A_104, %swap3A_105], %select_n3A_103 {strides = array<i32>} : memref<2048x2xi32, #tpu.memory_space<vmem>>, vector<2048x1xi32>,
    %broadcast_in_dim3A_107 = vector.shape_cast %add3A_76 : vector<1x1xi32> to vector<1x1xi32>
    %broadcast_in_dim3A_108 = vector.broadcast %broadcast_in_dim3A_107 : vector<1x1xi32> to vector<2048x1xi32>
    %select_n3A_109 = arith.select %lt3A_81, %add3A_89, %broadcast_in_dim3A_108 : vector<2048x1xi1>, vector<2048x1xi32>
    %swap3A_110 = arith.constant 0 : index
    %swap3A_111 = arith.constant 1 : index
    %swap3A_112 = vector.load %arg3[%swap3A_110, %swap3A_111] : memref<2048x2xi32, #tpu.memory_space<vmem>>, vector<2048x1xi32>
    tpu.vector_store %arg3[%swap3A_110, %swap3A_111], %select_n3A_109 {strides = array<i32>} : memref<2048x2xi32, #tpu.memory_space<vmem>>, vector<2048x1xi32>,
    %jit3A_113 = arith.constant 0.000000e+00 : f32
    %broadcast_in_dim3A_114 = vector.broadcast %jit3A_113 : f32 to vector<2048x1xf32>
    %select_n3A_115 = arith.select %lt3A_78, %div3A_30, %broadcast_in_dim3A_114 : vector<2048x1xi1>, vector<2048x1xf32>
    %swap3A_116 = arith.constant 0 : index
    %swap3A_117 = arith.constant 0 : index
    %swap3A_118 = vector.load %arg4[%swap3A_116, %swap3A_117] : memref<2048x2xf32, #tpu.memory_space<vmem>>, vector<2048x1xf32>
    tpu.vector_store %arg4[%swap3A_116, %swap3A_117], %select_n3A_115 {strides = array<i32>} : memref<2048x2xf32, #tpu.memory_space<vmem>>, vector<2048x1xf32>,
    %jit3A_119 = arith.constant 0.000000e+00 : f32
    %broadcast_in_dim3A_120 = vector.broadcast %jit3A_119 : f32 to vector<2048x1xf32>
    %select_n3A_121 = arith.select %lt3A_81, %sub3A_33, %broadcast_in_dim3A_120 : vector<2048x1xi1>, vector<2048x1xf32>
    %swap3A_122 = arith.constant 0 : index
    %swap3A_123 = arith.constant 1 : index
    %swap3A_124 = vector.load %arg4[%swap3A_122, %swap3A_123] : memref<2048x2xf32, #tpu.memory_space<vmem>>, vector<2048x1xf32>
    tpu.vector_store %arg4[%swap3A_122, %swap3A_123], %select_n3A_121 {strides = array<i32>} : memref<2048x2xf32, #tpu.memory_space<vmem>>, vector<2048x1xf32>,
    %convert_element_type3A_125 = arith.truncf %get3A_1 : vector<2048x768xf32> to vector<2048x768xbf16>
    %slice3A = vector.extract_strided_slice %convert_element_type3A_125 {offsets = [0, 0], sizes = [2048, 384], strides = [1, 1]} : vector<2048x768xbf16> to vector<2048x384xbf16>
    %bitcast_convert_type3A = tpu.bitcast %slice3A : vector<2048x384xbf16> -> vector<2048x384xi16>
    %slice3A_126 = vector.extract_strided_slice %convert_element_type3A_125 {offsets = [0, 384], sizes = [2048, 384], strides = [1, 1]} : vector<2048x768xbf16> to vector<2048x384xbf16>
    %bitcast_convert_type3A_127 = tpu.bitcast %slice3A_126 : vector<2048x384xbf16> -> vector<2048x384xi16>
    %convert_element_type3A_128 = arith.extsi %bitcast_convert_type3A : vector<2048x384xi16> to vector<2048x384xi32>
    %and3A = arith.constant 65535 : i32
    %and3A_129 = vector.broadcast %and3A : i32 to vector<2048x384xi32>
    %and3A_130 = arith.andi %convert_element_type3A_128, %and3A_129 : vector<2048x384xi32>
    %convert_element_type3A_131 = arith.extsi %bitcast_convert_type3A_127 : vector<2048x384xi16> to vector<2048x384xi32>
    %shift_left3A = arith.constant 16 : i32
    %shift_left3A_132 = vector.broadcast %shift_left3A : i32 to vector<2048x384xi32>
    %shift_left3A_133 = arith.shli %convert_element_type3A_131, %shift_left3A_132 : vector<2048x384xi32>
    %or3A = arith.ori %and3A_130, %shift_left3A_133 : vector<2048x384xi32>
    %swap3A_134 = arith.constant 0 : index
    %swap3A_135 = arith.constant 0 : index
    %swap3A_136 = vector.load %arg5[%swap3A_134, %swap3A_135] : memref<2048x384xi32, #tpu.memory_space<vmem>>, vector<2048x384xi32>
    tpu.vector_store %arg5[%swap3A_134, %swap3A_135], %or3A {strides = array<i32>} : memref<2048x384xi32, #tpu.memory_space<vmem>>, vector<2048x384xi32>,
    %sub3A_137 = vector.broadcast %broadcast_in_dim3A : vector<2048x1xf32> to vector<2048x8xf32>
    %sub3A_138 = arith.subf %dot_general3A_5, %sub3A_137 : vector<2048x8xf32>
    %exp3A_139 = math.exp %sub3A_138 : vector<2048x8xf32>
    %reduce_sum3A_140 = arith.constant dense<0.000000e+00> : vector<2048xf32>
    %reduce_sum3A_141 = vector.multi_reduction <add>, %exp3A_139, %reduce_sum3A_140 [1] : vector<2048x8xf32> to vector<2048xf32>
    %broadcast_in_dim3A_142 = vector.shape_cast %reduce_sum3A_141 : vector<2048xf32> to vector<2048x1xf32>
    %div3A_143 = vector.broadcast %broadcast_in_dim3A_142 : vector<2048x1xf32> to vector<2048x8xf32>
    %div3A_144 = arith.divf %exp3A_139, %div3A_143 : vector<2048x8xf32>
    %reduce_sum3A_145 = arith.constant dense<0.000000e+00> : vector<8xf32>
    %reduce_sum3A_146 = vector.multi_reduction <add>, %div3A_144, %reduce_sum3A_145 [0] : vector<2048x8xf32> to vector<8xf32>
    %broadcast_in_dim3A_147 = vector.shape_cast %reduce_sum3A_146 : vector<8xf32> to vector<1x8xf32>
    %div3A_148 = arith.constant 2.048000e+03 : f32
    %div3A_149 = vector.broadcast %div3A_148 : f32 to vector<1x8xf32>
    %div3A_150 = arith.divf %broadcast_in_dim3A_147, %div3A_149 : vector<1x8xf32>
    %sub3A_151 = arith.constant 1.250000e-01 : f32
    %sub3A_152 = vector.broadcast %sub3A_151 : f32 to vector<1x8xf32>
    %sub3A_153 = arith.subf %div3A_150, %sub3A_152 : vector<1x8xf32>
    %integer_pow3A = arith.mulf %sub3A_153, %sub3A_153 : vector<1x8xf32>
    %reduce_sum3A_154 = arith.constant dense<0.000000e+00> : vector<1xf32>
    %reduce_sum3A_155 = vector.multi_reduction <add>, %integer_pow3A, %reduce_sum3A_154 [1] : vector<1x8xf32> to vector<1xf32>
    %broadcast_in_dim3A_156 = vector.shape_cast %reduce_sum3A_155 : vector<1xf32> to vector<1x1xf32>
    %div3A_157 = arith.constant 8.000000e+00 : f32
    %div3A_158 = vector.broadcast %div3A_157 : f32 to vector<1x1xf32>
    %div3A_159 = arith.divf %broadcast_in_dim3A_156, %div3A_158 : vector<1x1xf32>
    %mul3A_160 = arith.constant 8.000000e+00 : f32
    %mul3A_161 = vector.broadcast %mul3A_160 : f32 to vector<1x1xf32>
    %mul3A_162 = arith.mulf %div3A_159, %mul3A_161 : vector<1x1xf32>
    %swap3A_163 = arith.constant 0 : index
    %swap3A_164 = arith.constant 0 : index
    %swap3A_165 = vector.load %arg6[%swap3A_163, %swap3A_164] : memref<1x1xf32, #tpu.memory_space<vmem>>, vector<1x1xf32>
    tpu.vector_store %arg6[%swap3A_163, %swap3A_164], %mul3A_162 {strides = array<i32>} : memref<1x1xf32, #tpu.memory_space<vmem>>, vector<1x1xf32>,
    return
  }
}

module attributes {stable_mosaic.version = 14 : i64} {
  func.func @_expert_body(%arg0: i32, %arg1: i32, %arg2: memref<640x384xi32, #tpu.memory_space<vmem>>, %arg3: memref<640x1xf32, #tpu.memory_space<vmem>>, %arg4: memref<1x768x1024xf32, #tpu.memory_space<vmem>>, %arg5: memref<1x768x1024xf32, #tpu.memory_space<vmem>>, %arg6: memref<1x1024x768xf32, #tpu.memory_space<vmem>>, %arg7: memref<640x384xi32, #tpu.memory_space<vmem>>, %arg8: memref<640x768xf32, #tpu.memory_space<vmem>>, %arg9: memref<640x768xbf16, #tpu.memory_space<vmem>>) attributes {dimension_semantics = [#tpu.dimension_semantics<arbitrary>, #tpu.dimension_semantics<arbitrary>], iteration_bounds = array<i64: 8, 2>, scalar_prefetch = 0 : i64, scratch_operands = 2 : i64, tpu.core_type = #tpu.core_type<tc>, window_params = [{transform_indices = @transform_0, window_bounds = array<i64: 640, 384>}, {transform_indices = @transform_1, window_bounds = array<i64: 640, 1>}, {transform_indices = @transform_2, window_bounds = array<i64: 1, 768, 1024>}, {transform_indices = @transform_3, window_bounds = array<i64: 1, 768, 1024>}, {transform_indices = @transform_4, window_bounds = array<i64: 1, 1024, 768>}, {transform_indices = @transform_5, window_bounds = array<i64: 640, 384>}]} {
    %eq3A = arith.constant 0 : i32
    %eq3A_0 = arith.cmpi eq, %arg1, %eq3A : i32
    %convert_element_type3A = arith.extui %eq3A_0 : i1 to i32
    %cond3A = arith.constant 0 : i32
    %cond3A_1 = arith.cmpi ne, %convert_element_type3A, %cond3A : i32
    scf.if %cond3A_1 {
      %get3A_46 = arith.constant 0 : index
      %get3A_47 = arith.constant 0 : index
      %get3A_48 = vector.load %arg2[%get3A_46, %get3A_47] : memref<640x384xi32, #tpu.memory_space<vmem>>, vector<640x384xi32>
      %and3A = arith.constant 65535 : i32
      %and3A_49 = vector.broadcast %and3A : i32 to vector<640x384xi32>
      %and3A_50 = arith.andi %get3A_48, %and3A_49 : vector<640x384xi32>
      %convert_element_type3A_51 = arith.trunci %and3A_50 : vector<640x384xi32> to vector<640x384xi16>
      %bitcast_convert_type3A = tpu.bitcast %convert_element_type3A_51 : vector<640x384xi16> -> vector<640x384xbf16>
      %shift_right_logical3A = arith.constant 16 : i32
      %shift_right_logical3A_52 = vector.broadcast %shift_right_logical3A : i32 to vector<640x384xi32>
      %shift_right_logical3A_53 = arith.shrui %get3A_48, %shift_right_logical3A_52 : vector<640x384xi32>
      %convert_element_type3A_54 = arith.trunci %shift_right_logical3A_53 : vector<640x384xi32> to vector<640x384xi16>
      %bitcast_convert_type3A_55 = tpu.bitcast %convert_element_type3A_54 : vector<640x384xi16> -> vector<640x384xbf16>
      %concatenate3A = tpu.concatenate %bitcast_convert_type3A, %bitcast_convert_type3A_55 in 1 : vector<640x384xbf16>, vector<640x384xbf16> -> vector<640x768xbf16>
      %swap3A = arith.constant 0 : index
      %swap3A_56 = arith.constant 0 : index
      %swap3A_57 = vector.load %arg9[%swap3A, %swap3A_56] : memref<640x768xbf16, #tpu.memory_space<vmem>>, vector<640x768xbf16>
      tpu.vector_store %arg9[%swap3A, %swap3A_56], %concatenate3A {strides = array<i32>} : memref<640x768xbf16, #tpu.memory_space<vmem>>, vector<640x768xbf16>,
    } else {
    }
    %get3A = arith.constant 0 : index
    %get3A_2 = arith.constant 0 : index
    %get3A_3 = vector.load %arg9[%get3A, %get3A_2] : memref<640x768xbf16, #tpu.memory_space<vmem>>, vector<640x768xbf16>
    %get3A_4 = arith.constant 0 : index
    %get3A_5 = arith.constant 0 : index
    %get3A_6 = arith.constant 0 : index
    %get3A_7 = vector.load %arg4[%get3A_4, %get3A_5, %get3A_6] : memref<1x768x1024xf32, #tpu.memory_space<vmem>>, vector<1x768x1024xf32>
    %get3A_8 = vector.shape_cast %get3A_7 : vector<1x768x1024xf32> to vector<768x1024xf32>
    %convert_element_type3A_9 = arith.truncf %get3A_8 : vector<768x1024xf32> to vector<768x1024xbf16>
    %get3A_10 = arith.constant 0 : index
    %get3A_11 = arith.constant 0 : index
    %get3A_12 = arith.constant 0 : index
    %get3A_13 = vector.load %arg5[%get3A_10, %get3A_11, %get3A_12] : memref<1x768x1024xf32, #tpu.memory_space<vmem>>, vector<1x768x1024xf32>
    %get3A_14 = vector.shape_cast %get3A_13 : vector<1x768x1024xf32> to vector<768x1024xf32>
    %convert_element_type3A_15 = arith.truncf %get3A_14 : vector<768x1024xf32> to vector<768x1024xbf16>
    %get3A_16 = arith.constant 0 : index
    %get3A_17 = arith.constant 0 : index
    %get3A_18 = arith.constant 0 : index
    %get3A_19 = vector.load %arg6[%get3A_16, %get3A_17, %get3A_18] : memref<1x1024x768xf32, #tpu.memory_space<vmem>>, vector<1x1024x768xf32>
    %get3A_20 = vector.shape_cast %get3A_19 : vector<1x1024x768xf32> to vector<1024x768xf32>
    %convert_element_type3A_21 = arith.truncf %get3A_20 : vector<1024x768xf32> to vector<1024x768xbf16>
    %dot_general3A = arith.constant dense<0.000000e+00> : vector<640x1024xf32>
    %dot_general3A_22 = tpu.matmul %get3A_3, %convert_element_type3A_9, %dot_general3A {dimension_numbers = #tpu.dot_dimension_numbers<[1], [0], [0], [1], [0, 0, 1, 1], [], []>, transpose_lhs_hint = false} : vector<640x768xbf16>, vector<768x1024xbf16>, vector<640x1024xf32> -> vector<640x1024xf32>
    %dot_general3A_23 = arith.constant dense<0.000000e+00> : vector<640x1024xf32>
    %dot_general3A_24 = tpu.matmul %get3A_3, %convert_element_type3A_15, %dot_general3A_23 {dimension_numbers = #tpu.dot_dimension_numbers<[1], [0], [0], [1], [0, 0, 1, 1], [], []>, transpose_lhs_hint = false} : vector<640x768xbf16>, vector<768x1024xbf16>, vector<640x1024xf32> -> vector<640x1024xf32>
    %neg3A = arith.constant 0.000000e+00 : f32
    %neg3A_25 = vector.broadcast %neg3A : f32 to vector<640x1024xf32>
    %neg3A_26 = arith.subf %neg3A_25, %dot_general3A_22 : vector<640x1024xf32>
    %exp3A = math.exp %neg3A_26 : vector<640x1024xf32>
    %add3A = arith.constant 1.000000e+00 : f32
    %add3A_27 = vector.broadcast %add3A : f32 to vector<640x1024xf32>
    %add3A_28 = arith.addf %add3A_27, %exp3A : vector<640x1024xf32>
    %div3A = arith.divf %dot_general3A_22, %add3A_28 : vector<640x1024xf32>
    %mul3A = arith.mulf %div3A, %dot_general3A_24 : vector<640x1024xf32>
    %convert_element_type3A_29 = arith.truncf %mul3A : vector<640x1024xf32> to vector<640x1024xbf16>
    %dot_general3A_30 = arith.constant dense<0.000000e+00> : vector<640x768xf32>
    %dot_general3A_31 = tpu.matmul %convert_element_type3A_29, %convert_element_type3A_21, %dot_general3A_30 {dimension_numbers = #tpu.dot_dimension_numbers<[1], [0], [0], [1], [0, 0, 1, 1], [], []>, transpose_lhs_hint = false} : vector<640x1024xbf16>, vector<1024x768xbf16>, vector<640x768xf32> -> vector<640x768xf32>
    %eq3A_32 = arith.constant 0 : i32
    %eq3A_33 = arith.cmpi eq, %arg1, %eq3A_32 : i32
    %convert_element_type3A_34 = arith.extui %eq3A_33 : i1 to i32
    %cond3A_35 = arith.constant 0 : i32
    %cond3A_36 = arith.cmpi ne, %convert_element_type3A_34, %cond3A_35 : i32
    scf.if %cond3A_36 {
      %swap3A = arith.constant 0 : index
      %swap3A_46 = arith.constant 0 : index
      %swap3A_47 = vector.load %arg8[%swap3A, %swap3A_46] : memref<640x768xf32, #tpu.memory_space<vmem>>, vector<640x768xf32>
      tpu.vector_store %arg8[%swap3A, %swap3A_46], %dot_general3A_31 {strides = array<i32>} : memref<640x768xf32, #tpu.memory_space<vmem>>, vector<640x768xf32>,
    } else {
    }
    %ne3A = arith.constant 0 : i32
    %ne3A_37 = arith.cmpi ne, %arg1, %ne3A : i32
    %convert_element_type3A_38 = arith.extui %ne3A_37 : i1 to i32
    %cond3A_39 = arith.constant 0 : i32
    %cond3A_40 = arith.cmpi ne, %convert_element_type3A_38, %cond3A_39 : i32
    scf.if %cond3A_40 {
      %get3A_46 = arith.constant 0 : index
      %get3A_47 = arith.constant 0 : index
      %get3A_48 = vector.load %arg8[%get3A_46, %get3A_47] : memref<640x768xf32, #tpu.memory_space<vmem>>, vector<640x768xf32>
      %add3A_49 = arith.addf %get3A_48, %dot_general3A_31 : vector<640x768xf32>
      %swap3A = arith.constant 0 : index
      %swap3A_50 = arith.constant 0 : index
      %swap3A_51 = vector.load %arg8[%swap3A, %swap3A_50] : memref<640x768xf32, #tpu.memory_space<vmem>>, vector<640x768xf32>
      tpu.vector_store %arg8[%swap3A, %swap3A_50], %add3A_49 {strides = array<i32>} : memref<640x768xf32, #tpu.memory_space<vmem>>, vector<640x768xf32>,
    } else {
    }
    %eq3A_41 = arith.constant 1 : i32
    %eq3A_42 = arith.cmpi eq, %arg1, %eq3A_41 : i32
    %convert_element_type3A_43 = arith.extui %eq3A_42 : i1 to i32
    %cond3A_44 = arith.constant 0 : i32
    %cond3A_45 = arith.cmpi ne, %convert_element_type3A_43, %cond3A_44 : i32
    scf.if %cond3A_45 {
      %get3A_46 = arith.constant 0 : index
      %get3A_47 = arith.constant 0 : index
      %get3A_48 = vector.load %arg8[%get3A_46, %get3A_47] : memref<640x768xf32, #tpu.memory_space<vmem>>, vector<640x768xf32>
      %get3A_49 = arith.constant 0 : index
      %get3A_50 = arith.constant 0 : index
      %get3A_51 = vector.load %arg3[%get3A_49, %get3A_50] : memref<640x1xf32, #tpu.memory_space<vmem>>, vector<640x1xf32>
      %mul3A_52 = vector.broadcast %get3A_51 : vector<640x1xf32> to vector<640x768xf32>
      %mul3A_53 = arith.mulf %get3A_48, %mul3A_52 : vector<640x768xf32>
      %convert_element_type3A_54 = arith.truncf %mul3A_53 : vector<640x768xf32> to vector<640x768xbf16>
      %slice3A = vector.extract_strided_slice %convert_element_type3A_54 {offsets = [0, 0], sizes = [640, 384], strides = [1, 1]} : vector<640x768xbf16> to vector<640x384xbf16>
      %bitcast_convert_type3A = tpu.bitcast %slice3A : vector<640x384xbf16> -> vector<640x384xi16>
      %slice3A_55 = vector.extract_strided_slice %convert_element_type3A_54 {offsets = [0, 384], sizes = [640, 384], strides = [1, 1]} : vector<640x768xbf16> to vector<640x384xbf16>
      %bitcast_convert_type3A_56 = tpu.bitcast %slice3A_55 : vector<640x384xbf16> -> vector<640x384xi16>
      %convert_element_type3A_57 = arith.extsi %bitcast_convert_type3A : vector<640x384xi16> to vector<640x384xi32>
      %and3A = arith.constant 65535 : i32
      %and3A_58 = vector.broadcast %and3A : i32 to vector<640x384xi32>
      %and3A_59 = arith.andi %convert_element_type3A_57, %and3A_58 : vector<640x384xi32>
      %convert_element_type3A_60 = arith.extsi %bitcast_convert_type3A_56 : vector<640x384xi16> to vector<640x384xi32>
      %shift_left3A = arith.constant 16 : i32
      %shift_left3A_61 = vector.broadcast %shift_left3A : i32 to vector<640x384xi32>
      %shift_left3A_62 = arith.shli %convert_element_type3A_60, %shift_left3A_61 : vector<640x384xi32>
      %or3A = arith.ori %and3A_59, %shift_left3A_62 : vector<640x384xi32>
      %swap3A = arith.constant 0 : index
      %swap3A_63 = arith.constant 0 : index
      %swap3A_64 = vector.load %arg7[%swap3A, %swap3A_63] : memref<640x384xi32, #tpu.memory_space<vmem>>, vector<640x384xi32>
      tpu.vector_store %arg7[%swap3A, %swap3A_63], %or3A {strides = array<i32>} : memref<640x384xi32, #tpu.memory_space<vmem>>, vector<640x384xi32>,
    } else {
    }
    return
  }
  func.func @transform_0(%arg0: i32, %arg1: i32) -> (i32, i32) {
    %c0_i32 = arith.constant 0 : i32
    %c0_i32_0 = arith.constant 0 : i32
    return %arg0, %c0_i32 : i32, i32
  }
  func.func @transform_1(%arg0: i32, %arg1: i32) -> (i32, i32) {
    %c0_i32 = arith.constant 0 : i32
    %c0_i32_0 = arith.constant 0 : i32
    return %arg0, %c0_i32 : i32, i32
  }
  func.func @transform_2(%arg0: i32, %arg1: i32) -> (i32, i32, i32) {
    %c0_i32 = arith.constant 0 : i32
    %c0_i32_0 = arith.constant 0 : i32
    return %arg0, %c0_i32, %arg1 : i32, i32, i32
  }
  func.func @transform_3(%arg0: i32, %arg1: i32) -> (i32, i32, i32) {
    %c0_i32 = arith.constant 0 : i32
    %c0_i32_0 = arith.constant 0 : i32
    return %arg0, %c0_i32, %arg1 : i32, i32, i32
  }
  func.func @transform_4(%arg0: i32, %arg1: i32) -> (i32, i32, i32) {
    %c0_i32 = arith.constant 0 : i32
    %c0_i32_0 = arith.constant 0 : i32
    return %arg0, %arg1, %c0_i32 : i32, i32, i32
  }
  func.func @transform_5(%arg0: i32, %arg1: i32) -> (i32, i32) {
    %c0_i32 = arith.constant 0 : i32
    %c0_i32_0 = arith.constant 0 : i32
    return %arg0, %c0_i32 : i32, i32
  }
}

</mosaic_0001>

<sc_bundles>
// kernel: kernel.6.cloned.1.call-start
scs
__scs_entry_jumppad:
0x0: {  	(pc) =	sbr.rel $0x88, $3  }
0x1: {  	(tag) =	ssettag $0x0;
	lr =	simm.s32 $0x1  }
0x2: {  	[smem:$0x3F9C] =	sst lr;
	_ =	strace $0xD0000000  }
0x3: {  	_ = 	snop  }
0x4: {  	_ = 	snop  }
0x5: {  	_ = 	snop  }
0x6: {  	_ = 	snop  }
0x7: {  	_ = 	snop  }
__scs_overlays_trampoline_lowered:
0x8: {  	[smem:$0x3FAB] =	sst s0  }
0x9: {  	[smem:$0x3FAC] =	sst s1  }
0xa: {  	[smem:$0x3FAD] =	sst s2  }
0xb: {  	[smem:$0x3FAE] =	sst s3  }
0xc: {  	[smem:$0x3FAF] =	sst s4  }
0xd: {  	[smem:$0x3FB0] =	sst s5  }
0xe: {  	[smem:$0x3FB1] =	sst s6  }
0xf: {  	[smem:$0x3FB2] =	sst s7  }
0x10: {  	[smem:$0x3FB3] =	sst s8  }
0x11: {  	[smem:$0x3FB4] =	sst s9;
	s0 =	simm.s32 @!p0 $0x0  }
0x12: {  	s1 =	sld [smem:$0x3F9A];
	s0 =	simm.s32 @p0 $0x1  }
0x13: {  	[smem:$0x3FB5] =	sst s0;
	s0 =	simm.s32 @!p1 $0x0  }
0x14: {  	s2 =	sld [smem:$0x3F99];
	s0 =	simm.s32 @p1 $0x1  }
0x15: {  	[smem:$0x3FB6] =	sst s0;
	s0 =	simm.s32 @!p2 $0x0  }
0x16: {  	s3 =	sld [smem:$0x3FDB];
	s0 =	simm.s32 @p2 $0x1  }
0x17: {  	s4 =	simm.s32 $0x1BF5;
	[smem:$0x3FB8] =	sst s0  }
0x18: {  	s0 =	sld [smem:$0x3F9B];
	_ =	swait.ge [sflag:s4], $0x0  }
0x19: {  	s7 =	sld [smem:$0x3F9C]  }
0x1a: {  	s8 =	sadd.s32 $0xFFFFE003, lr  }
0x1b: {  	s9 =	sadd.s32 $0xFFFFFEF7, lr;
	s5 =	simm.s32 $0xFFFFFFFF;
	p2 =	slt.u32 s8, $0xFFFFF086  }
0x1c: {  	p1 =	slt.u32 s9, $0xF7A;
	s5 =	simm.s32 @!p2 $0x0  }
0x1d: {  	s5 =	simm.s32 @p1 $0x1;
	p0 =	seq.s32 s7, s2  }
0x1e: {  	s7 =	smul.u32 @!p0 $0xF7A, s2;
	p2 =	seq.s32 @!p0 s5, $0x0  }
0x1f: {  	s9 =	smul.u32 $0xF7A, s1;
	s8 =	simm.s32 @!p0 $0x1BF5;
	p2 =	por !p2, p0  }
0x20: {  	[sflag:s8] =	ssyncset.s32 @!p0 $0xFFFFF086;
	s6 =	sadd.s32 @!p0 s3, s7;
	s7 =	simm.s32 @!p0 $0x108  }
0x21: {  	s3 =	sadd.s32 s3, s9;
	s6 =	sadd.s32 @!p0 $0x88, s6;
	s7 =	simm.s32 @p2 $0x1082  }
0x22: {  	[simem:s7], [sflag:s8] =	dma.local @!p0 [hbm:s6], $0xF7A  }
0x23: {  	s9 =	sor.u32 $0xD0000000, s2;
	s6 =	simm.s32 $0x108;
	_ =	swait.ge @!p0 [sflag:s8], $0x0  }
0x24: {  	s3 =	sadd.s32 $0x88, s3;
	s6 =	simm.s32 @!p1 $0x1082;
	[sflag:s4] =	ssyncset.s32 $0xFFFFF086  }
0x25: {  	[simem:s6], [sflag:s4] =	dma.local [hbm:s3], $0xF7A  }
0x26: {  	[smem:$0x3F9C] =	sst s1;
	(tag) =	ssettag s2;
	_ =	strace s9  }
0x27: {  	s1 =	sld [smem:$0x3FAC]  }
0x28: {  	s2 =	sld [smem:$0x3FAD]  }
0x29: {  	s4 =	sld [smem:$0x3FAF]  }
0x2a: {  	p0 =	seq.s32 s5, $0x0;
	s5 =	sld [smem:$0x3FB0]  }
0x2b: {  	s6 =	sld [smem:$0x3FB1]  }
0x2c: {  	s7 =	sld [smem:$0x3FB2]  }
0x2d: {  	s3 =	simm.s32 $0x108;
	s8 =	sld [smem:$0x3FB3]  }
0x2e: {  	s3 =	simm.s32 @!p0 $0x1082;
	s9 =	sld [smem:$0x3FB4]  }
0x2f: {  	lr =	sadd.s32 s0, s3;
	s0 =	sld [smem:$0x3FAB]  }
0x30: {  	s3 =	sld [smem:$0x3FAE]  }
0x31: {  	[smem:$0x3FB7] =	sst s10  }
0x32: {  	s10 =	sld [smem:$0x3FB5];
	_ =	sdelay $0x3  }
0x33: {  	p0 =	seq.s32 s10, $0x1;
	s10 =	sld [smem:$0x3FB7];
	_ =	sdelay $0x3  }
0x34: {  	[smem:$0x3FB7] =	sst s10  }
0x35: {  	s10 =	sld [smem:$0x3FB6];
	_ =	sdelay $0x3  }
0x36: {  	p1 =	seq.s32 s10, $0x1;
	s10 =	sld [smem:$0x3FB7];
	_ =	sdelay $0x3  }
0x37: {  	[smem:$0x3FB7] =	sst s10  }
0x38: {  	s10 =	sld [smem:$0x3FB8]  }
0x39: {  	_ = 	snop;
	(pc) =	sbr.ind lr, $3  }
0x3a: {  	_ = 	snop  }
0x3b: {  	_ = 	snop  }
0x3c: {  	p2 =	seq.s32 s10, $0x1;
	s10 =	sld [smem:$0x3FB7]  }
0x3d: {  	_ =	shalt  }
0x3e: {  	_ =	shalt  }
0x3f: {  	_ =	shalt  }
0x40: {  	_ =	shalt  }
0x41: {  	_ =	shalt  }
0x42: {  	_ =	shalt  }
0x43: {  	_ =	shalt  }
0x44: {  	_ =	shalt  }
0x45: {  	_ =	shalt  }
0x46: {  	_ =	shalt  }
0x47: {  	_ =	shalt  }
0x48: {  	_ =	shalt  }
0x49: {  	_ =	shalt  }
0x4a: {  	_ =	shalt  }
0x4b: {  	_ =	shalt  }
0x4c: {  	_ =	shalt  }
0x4d: {  	_ =	shalt  }
0x4e: {  	_ =	shalt  }
0x4f: {  	_ =	shalt  }
0x50: {  	_ =	shalt  }
0x51: {  	_ =	shalt  }
0x52: {  	_ =	shalt  }
0x53: {  	_ =	shalt  }
0x54: {  	_ =	shalt  }
0x55: {  	_ =	shalt  }
0x56: {  	_ =	shalt  }
0x57: {  	_ =	shalt  }
0x58: {  	_ =	shalt  }
0x59: {  	_ =	shalt  }
0x5a: {  	_ =	shalt  }
0x5b: {  	_ =	shalt  }
0x5c: {  	_ =	shalt  }
0x5d: {  	_ =	shalt  }
0x5e: {  	_ =	shalt  }
0x5f: {  	_ =	shalt  }
0x60: {  	_ =	shalt  }
0x61: {  	_ =	shalt  }
0x62: {  	_ =	shalt  }
0x63: {  	_ =	shalt  }
0x64: {  	_ =	shalt  }
0x65: {  	_ =	shalt  }
0x66: {  	_ =	shalt  }
0x67: {  	_ =	shalt  }
0x68: {  	_ =	shalt  }
0x69: {  	_ =	shalt  }
0x6a: {  	_ =	shalt  }
0x6b: {  	_ =	shalt  }
0x6c: {  	_ =	shalt  }
0x6d: {  	_ =	shalt  }
0x6e: {  	_ =	shalt  }
0x6f: {  	_ =	shalt  }
0x70: {  	_ =	shalt  }
0x71: {  	_ =	shalt  }
0x72: {  	_ =	shalt  }
0x73: {  	_ =	shalt  }
0x74: {  	_ =	shalt  }
0x75: {  	_ =	shalt  }
0x76: {  	_ =	shalt  }
0x77: {  	_ =	shalt  }
0x78: {  	_ =	shalt  }
0x79: {  	_ =	shalt  }
0x7a: {  	_ =	shalt  }
0x7b: {  	_ =	shalt  }
0x7c: {  	_ =	shalt  }
0x7d: {  	_ =	shalt  }
0x7e: {  	_ =	shalt  }
0x7f: {  	_ =	shalt  }
0x80: {  	_ =	shalt  }
0x81: {  	_ =	shalt  }
0x82: {  	_ =	shalt  }
0x83: {  	_ =	shalt  }
0x84: {  	_ =	shalt  }
0x85: {  	_ =	shalt  }
0x86: {  	_ =	shalt  }
0x87: {  	_ =	shalt  }
.Lfunc_end0:
.L_simem_size_0:
called_computation_lowered:
.L_overlay_start_0:
0x88: {  	s2 =	sld [smem:$0x3FD9]  }
0x89: {  	s3 =	sld [smem:$0x3FFE];
	_ =	sdelay $0x1  }
0x8a: {  	s1 =	srdreg.scid  }
0x8b: {  	s0 =	sand.u32 $0x1, s1  }
0x8c: {  	s14 =	sshll.u32 s0, $0xA;
	s2 =	sadd.s32 s3, s2  }
0x8d: {  	s2 =	sadd.s32 s2, s14  }
0x8e: {  	[smem:$0x3FC3] =	sst s2  }
0x8f: {  	_ = 	snop  }
0x90: {  	s2 =	sld [smem:$0x3FD0];
	_ =	sdelay $0x2  }
0x91: {  	s15 =	simm.s32 $0xA;
	s4 =	simm.s32 $0x10  }
0x92: {  	[smem:s4], [sflag:s15] =	dma.local [hbm:s2], $0x1  }
0x93: {  	_ =	swait.eq [sflag:s15], $0x1  }
0x94: {  	[sflag:s15] =	ssyncset.done $0x0  }
0x95: {  	[sflag:s15] =	ssyncadd.s32 $0xFFFFFFFF  }
0x96: {  	s16 =	sld [smem:$0x10];
	(tm) =	ssettm $0x1  }
0x97: {  	s17 =	sld [smem:$0x3FFB];
	_ =	sdelay $0x3  }
0x98: {  	_ =	strace s17  }
0x99: {  	s3 =	sld [smem:$0x3FFC];
	_ =	sdelay $0x3  }
0x9a: {  	_ =	strace s3  }
0x9b: {  	s3 =	sld [smem:$0x3FFD];
	_ =	sdelay $0x3  }
0x9c: {  	_ =	strace s3  }
0x9d: {  	_ =	strace $0x8FFFFFFF  }
0x9e: {  	s18 =	sld [smem:$0x3FDB];
	_ =	sdelay $0x1  }
0x9f: {  	s19 =	simm.s32 $_scs_section_size  }
0xa0: {  	s5 =	simm.s32 $_size__tile_overlayer_lowered;
	s6 =	simm.s32 $_tile_overlayer_lowered  }
0xa1: {  	s22 =	simm.s32 $0x1BFF;
	s21 =	sshll.u32 s6, $0x1;
	s3 =	sadd.s32 s19, s18  }
0xa2: {  	s7 =	simm.s32 $0x0;
	s20 =	sshll.u32 s5, $0x1;
	s5 =	sadd.s32 s21, s3  }
0xa3: {  	[timem:s7], [sflag:s22] =	dma.local [hbm:s5], s20  }
0xa4: {  	_ =	swait.ge [sflag:s22], s20  }
0xa5: {  	s4 =	ssub.s32 $0x0, s20;
	[sflag:s22] =	ssyncset.done $0x0  }
0xa6: {  	[sflag:s22] =	ssyncadd.s32 s4;
	_ =	sdelay $0x1  }
0xa7: {  	s23 =	simm.s32 $0x1B8B  }
0xa8: {  	_ =	swait.ge [sflag:s23], $0x1  }
0xa9: {  	[sflag:s23] =	ssyncset.done $0x0  }
0xaa: {  	s25 =	simm.s32 $0x1B8E;
	s24 =	sld [smem:$0x3FFE];
	[sflag:s23] =	ssyncadd.s32 $0xFFFFFFFF  }
0xab: {  	s26 =	simm.s32 $execute0_lowered;
	[smem:$0x3FD2] =	sst s25  }
0xac: {  	s5 =	sshll.u32 s26, $0x1;
	_ =	strace $0x80000046;
	[dreg:$0x1] =	wrdreg $0xFFFFFFFF  }
0xad: {  	s28 =	simm.s32 $_size_execute0_lowered;
	s3 =	sadd.s32 s3, s5;
	[dreg:$0x0] =	wrdreg $0x0  }
0xae: {  	s5 =	sshll.u32 s28, $0x1;
	[dreg:$0x2] =	wrdreg s3  }
0xaf: {  	[dreg:$0x3] =	wrdreg s5  }
0xb0: {  	[dreg:$0x4] =	wrdreg $0xC0  }
0xb1: {  	_ =	task [dreg:s7], $0x5FFFF  }
0xb2: {  	[dreg:$0x1] =	wrdreg $0xFFFFFFFF  }
0xb3: {  	[dreg:$0x0] =	wrdreg $0x60  }
0xb4: {  	[dreg:$0x2] =	wrdreg s24  }
0xb5: {  	[dreg:$0x3] =	wrdreg s16  }
0xb6: {  	[dreg:$0x4] =	wrdreg $0x9  }
0xb7: {  	_ =	task.clear_ibuf [dreg:s7], $0x5FFFF;
	_ =	strace $0x90000046  }
0xb8: {  	s29 =	simm.s32 $0x9;
	_ =	strace $0x80000048  }
0xb9: {  	_ =	swait.ge [sflag:s29], $0x1  }
0xba: {  	[sflag:s29] =	ssyncadd.s32 $0xFFFFFFFF  }
0xbb: {  	_ =	strace $0x90000048  }
0xbc: {  	_ =	sfence  }
0xbd: {  	s30 =	sld [smem:$0x0];
	_ =	sdelay $0x2  }
0xbe: {  	s31 =	sshll.u32 s1, $0xD;
	s1 =	sshrl.u32 s1, $0x2  }
0xbf: {  	s3 =	sand.u32 $0x4000, s31;
	s1 =	sadd.s32 s1, s30  }
0xc0: {  	s0 =	sor.u32 s3, s0;
	s1 =	sshll.u32 s1, $0x11  }
0xc1: {  	s0 =	sor.u32 s1, s0  }
0xc2: {  	s0 =	sadd.s32 $0x8F2B, s0  }
0xc3: {  	[sflag:s0] =	ssyncadd.remote.s32 $0x1  }
0xc4: {  	_ =	sfence.sel $0xFFFF  }
0xc5: {  	[dreg:$0x0] =	wrdreg $0xFFFFFFFF;
	(pc) =	sbr.abs _section_cstart, $3  }
0xc6: {  	[dreg:$0x1] =	wrdreg $0xFFFFFFFF  }
0xc7: {  	_ =	task.clear_ibuf [dreg:s7], $0x2FFFF;
	_ =	strace $0x9FFFFFFF  }
0xc8: {  	(tm) =	ssettm $0x7FFFFFFF  }
0xc9: {  	_ =	shalt  }
tec
execute0_lowered:
.L_overlay_start_1:
0x0: {  	(tag) =	ssettag $0x1  }
0x1: {  	s0 =	rddreg [dreg:$0x0]  }
0x2: {  	s2 =	rddreg [dreg:$0x1]  }
0x3: {  	s1 =	srdreg.scid;
	s4 =	stileid.u32  }
0x4: {  	s3 =	simm.s32 $0x0;
	s20 =	simm.s32 $0x2;
	s19 =	simm.s32 $0x1  }
0x5: {  	s31 =	simm.s32 $0x6000;
	s15 =	simm.s32 $0x9C00;
	s16 =	simm.s32 $0xA400  }
0x6: {  	s17 =	simm.s32 $0xA800;
	s18 =	simm.s32 $0xB000;
	s10 =	simm.s32 $0xBC00  }
0x7: {  	s1 =	sand.u32 $0x1, s1;
	[smem:$0x7FF] =	sst s3;
	s5 =	sadd.s32 $0x1600, s0  }
0x8: {  	s21 =	sadd.s32 $0x1800, s0;
	_ =	strace $0x80000047;
	[dreg:$0x3] =	wrdreg s5  }
0x9: {  	s4 =	sshll.u32 s4, $0x1;
	s22 =	sadd.s32 $0x1200, s0;
	[dreg:$0x4] =	wrdreg s21  }
0xa: {  	s23 =	sadd.s32 $0x1A00, s0;
	s24 =	sadd.s32 $0x2200, s0;
	[dreg:$0x5] =	wrdreg s22  }
0xb: {  	s14 =	sadd.s32 $0x100, s2;
	s4 =	sor.u32 s1, s4;
	[dreg:$0x6] =	wrdreg s23  }
0xc: {  	s1 =	ssub.s32 $0x2, s1;
	s22 =	simm.s32 $0x2000;
	s23 =	simm.s32 $0x3400  }
0xd: {  	s5 =	simm.s32 $0x8400;
	s4 =	smul.u32 $0xA0, s4;
	s12 =	sshrl.u32 s1, $0x1  }
0xe: {  	s21 =	simm.s32 $0x7400;
	s1 =	ssub.s32 s1, s12;
	s12 =	simm.s32 $0x9000  }
0xf: {  	s6 =	sshrl.u32 s4, $0x3;
	s7 =	sadd.s32 $0x28, s4;
	s8 =	sadd.s32 $0x50, s4  }
0x10: {  	s11 =	sadd.s32 $0x78, s4;
	s26 =	sadd.s32 $0x3400, s4;
	s30 =	smax.u32 s1, $0x1  }
0x11: {  	s0 =	sadd.s32 s6, s0;
	s6 =	smul.u32 $0x180, s6;
	[dreg:$0xe] =	wrdreg s7  }
0x12: {  	s7 =	sshrl.u32 s7, $0x3;
	[dreg:$0xf] =	wrdreg s8;
	s8 =	sshrl.u32 s8, $0x3  }
0x13: {  	s13 =	sshrl.u32 s11, $0x3;
	[dreg:$0x8] =	wrdreg s26;
	s7 =	smul.u32 $0x180, s7  }
0x14: {  	[dreg:$0xd] =	wrdreg s30;
	s8 =	smul.u32 $0x180, s8;
	s0 =	sadd.s32 $0x1E00, s0  }
0x15: {  	s25 =	smul.u32 $0x180, s13;
	[dreg:$0x7] =	wrdreg s0;
	s6 =	sadd.s32 s24, s6  }
0x16: {  	s1 =	simm.s32 $0x6C00;
	s13 =	simm.s32 $0x9800;
	[dreg:$0x9] =	wrdreg s6  }
0x17: {  	s28 =	sadd.s32 s24, s7;
	s29 =	sadd.s32 s24, s8;
	s0 =	sadd.s32 s24, s25  }
0x18: {  	v0 =	vlaneseq.u32;
	s24 =	simm.s32 $0x4800;
	s25 =	simm.s32 $0x0;
	[dreg:$0xa] =	wrdreg s28  }
0x19: {  	vm0 =	vmmov $0xffff;
	vm1 =	vmmov $0xff;
	v2 =	vshrl.u32 v0, $0x3;
	s6 =	simm.s32 $0x7800;
	s7 =	simm.s32 $0x8000;
	[dreg:$0xb] =	wrdreg s29  }
0x1a: {  	v1 =	vand.u32 $0x7, v0;
	v3 =	vor.u32 $0x8, v0;
	v2 =	vmul.u32 $0x8, v2;
	s8 =	simm.s32 $0x8C00;
	[dreg:$0xc] =	wrdreg s0;
	s0 =	simm.s32 $0x6800  }
.LBB2_1:
0x1b: {  	s26 =	rddreg [dreg:$0x3]  }
0x1c: {  	[tilespmem:s3], [sflag:$0x2] =	stream.linear.gather [hbm4b:s26+s3], $0x1000, $0x38;
	[tilespmem:$0xC000] =	vst v63  }
0x1d: {  	_ =	swait.ge [sflag:s20], $0x1000  }
0x1e: {  	[sflag:s20] =	ssyncset.done $0x0  }
0x1f: {  	s28 =	simm.s32 $0x1000;
	s30 =	rddreg [dreg:$0x4];
	[sflag:s20] =	ssyncadd.s32 $0xFFFFF000  }
0x20: {  	[tilespmem:s28], [sflag:$0x2] =	stream.linear.gather [hbm4b:s30+s3], $0x1000, $0x38;
	[tilespmem:$0xC000] =	vst v63  }
0x21: {  	_ =	swait.ge [sflag:s20], $0x1000  }
0x22: {  	[sflag:s20] =	ssyncset.done $0x0  }
0x23: {  	s9 =	rddreg [dreg:$0x5];
	[sflag:s20] =	ssyncadd.s32 $0xFFFFF000  }
0x24: {  	[tilespmem:s22], [sflag:$0x2] =	stream.linear.gather [hbm4b:s9+s3], $0x1400, $0x38;
	[tilespmem:$0xC000] =	vst v63  }
0x25: {  	_ =	swait.ge [sflag:s20], $0x1400  }
0x26: {  	[sflag:s20] =	ssyncset.done $0x0  }
0x27: {  	s30 =	rddreg [dreg:$0x6];
	[sflag:s20] =	ssyncadd.s32 $0xFFFFEC00  }
0x28: {  	[tilespmem:s23], [sflag:$0x2] =	stream.linear.gather [hbm4b:s30+s3], $0x1400, $0x38;
	[tilespmem:$0xC000] =	vst v63  }
0x29: {  	_ =	swait.ge [sflag:s20], $0x1400  }
0x2a: {  	s29 =	simm.s32 $0x1040;
	[sflag:s20] =	ssyncset.done $0x0  }
0x2b: {  	s26 =	simm.s32 $0x70;
	s28 =	simm.s32 $0x40;
	[sflag:s20] =	ssyncadd.s32 $0xFFFFEC00  }
.LBB2_2:
0x2c: {  	v4 =	vld [tilespmem:s28+$0xFFFFFFC0];
	_ =	sdelay $0x4  }
0x2d: {  	vm2 =	vlt.s32 v4, $0x1400;
	_ =	sdelay $0x1  }
0x2e: {  	v5 =	vld [tilespmem:s29+$0xFFFFFFC0]  }
0x2f: {  	s30 =	sadd.s32 $0xFFFFFF90, s26  }
0x30: {  	v6 =	vor.u32 s30, v0  }
0x31: {  	v6 =	vand.u32 $0x78F, v6  }
0x32: {  	[tilespmem:v4+s22+$0x0] =	vst.idx.msk vm2, v6  }
0x33: {  	[tilespmem:v4+s23+$0x0] =	vst.idx.msk vm2, v5  }
0x34: {  	v4 =	vld [tilespmem:s28+$0xFFFFFFD0];
	_ =	sdelay $0x4  }
0x35: {  	vm2 =	vlt.s32 v4, $0x1400;
	_ =	sdelay $0x1  }
0x36: {  	v5 =	vld [tilespmem:s29+$0xFFFFFFD0]  }
0x37: {  	s9 =	sadd.s32 $0xFFFFFFA0, s26  }
0x38: {  	v57 =	vor.u32 s9, v0  }
0x39: {  	v6 =	vand.u32 $0x79F, v57  }
0x3a: {  	[tilespmem:v4+s22+$0x0] =	vst.idx.msk vm2, v6  }
0x3b: {  	[tilespmem:v4+s23+$0x0] =	vst.idx.msk vm2, v5  }
0x3c: {  	v4 =	vld [tilespmem:s28+$0xFFFFFFE0];
	_ =	sdelay $0x4  }
0x3d: {  	vm2 =	vlt.s32 v4, $0x1400;
	_ =	sdelay $0x1  }
0x3e: {  	v5 =	vld [tilespmem:s29+$0xFFFFFFE0]  }
0x3f: {  	s9 =	sadd.s32 $0xFFFFFFB0, s26  }
0x40: {  	v58 =	vor.u32 s9, v0  }
0x41: {  	v6 =	vand.u32 $0x7AF, v58  }
0x42: {  	[tilespmem:v4+s22+$0x0] =	vst.idx.msk vm2, v6  }
0x43: {  	[tilespmem:v4+s23+$0x0] =	vst.idx.msk vm2, v5  }
0x44: {  	v4 =	vld [tilespmem:s28+$0xFFFFFFF0];
	_ =	sdelay $0x4  }
0x45: {  	vm2 =	vlt.s32 v4, $0x1400;
	_ =	sdelay $0x1  }
0x46: {  	v5 =	vld [tilespmem:s29+$0xFFFFFFF0]  }
0x47: {  	s9 =	sadd.s32 $0xFFFFFFC0, s26  }
0x48: {  	v59 =	vor.u32 s9, v0  }
0x49: {  	v6 =	vand.u32 $0x7BF, v59  }
0x4a: {  	[tilespmem:v4+s22+$0x0] =	vst.idx.msk vm2, v6  }
0x4b: {  	[tilespmem:v4+s23+$0x0] =	vst.idx.msk vm2, v5  }
0x4c: {  	v4 =	vld [tilespmem:s28+$0x0];
	_ =	sdelay $0x4  }
0x4d: {  	vm2 =	vlt.s32 v4, $0x1400;
	_ =	sdelay $0x1  }
0x4e: {  	v5 =	vld [tilespmem:s29+$0x0]  }
0x4f: {  	s9 =	sadd.s32 $0xFFFFFFD0, s26  }
0x50: {  	v60 =	vor.u32 s9, v0  }
0x51: {  	v6 =	vand.u32 $0x7CF, v60  }
0x52: {  	[tilespmem:v4+s22+$0x0] =	vst.idx.msk vm2, v6  }
0x53: {  	[tilespmem:v4+s23+$0x0] =	vst.idx.msk vm2, v5  }
0x54: {  	v4 =	vld [tilespmem:s28+$0x10];
	_ =	sdelay $0x4  }
0x55: {  	vm2 =	vlt.s32 v4, $0x1400;
	_ =	sdelay $0x1  }
0x56: {  	v5 =	vld [tilespmem:s29+$0x10]  }
0x57: {  	s9 =	sadd.s32 $0xFFFFFFE0, s26  }
0x58: {  	v61 =	vor.u32 s9, v0  }
0x59: {  	v6 =	vand.u32 $0x7DF, v61  }
0x5a: {  	[tilespmem:v4+s22+$0x0] =	vst.idx.msk vm2, v6  }
0x5b: {  	[tilespmem:v4+s23+$0x0] =	vst.idx.msk vm2, v5  }
0x5c: {  	v4 =	vld [tilespmem:s28+$0x20];
	_ =	sdelay $0x4  }
0x5d: {  	vm2 =	vlt.s32 v4, $0x1400;
	_ =	sdelay $0x1  }
0x5e: {  	v5 =	vld [tilespmem:s29+$0x20]  }
0x5f: {  	s9 =	sadd.s32 $0xFFFFFFF0, s26  }
0x60: {  	v62 =	vor.u32 s9, v0  }
0x61: {  	v6 =	vand.u32 $0x7EF, v62  }
0x62: {  	[tilespmem:v4+s22+$0x0] =	vst.idx.msk vm2, v6  }
0x63: {  	[tilespmem:v4+s23+$0x0] =	vst.idx.msk vm2, v5  }
0x64: {  	v4 =	vld [tilespmem:s28+$0x30];
	_ =	sdelay $0x4  }
0x65: {  	vm2 =	vlt.s32 v4, $0x1400;
	_ =	sdelay $0x1  }
0x66: {  	p0 =	sne.s32 s26, $0xFF0;
	v5 =	vld [tilespmem:s29+$0x30]  }
.Ltmp0:
0x67: {  	_ = 	snop;
	(pc) =	sbr.rel @p0 .LBB2_2-.Ltmp0, $4  }
0x68: {  	v63 =	vor.u32 s26, v0  }
0x69: {  	v6 =	vand.u32 $0x7FF, v63  }
0x6a: {  	[tilespmem:v4+s22+$0x0] =	vst.idx.msk vm2, v6  }
0x6b: {  	s26 =	sadd.s32 $0x80, s26;
	s28 =	sadd.s32 $0x80, s28;
	s29 =	sadd.s32 $0x80, s29;
	[tilespmem:v4+s23+$0x0] =	vst.idx.msk vm2, v5  }
0x6c: {  	s26 =	rddreg [dreg:$0x7]  }
0x6d: {  	s28 =	rddreg [dreg:$0x8]  }
0x6e: {  	[hbm4b:s26+s3] =	stream.linear.scatter [tilespmem:s28], [sflag:$0x2], $0xA0, $0x38;
	[tilespmem:$0xC000] =	vst v63  }
0x6f: {  	_ =	swait.ge [sflag:s20], $0xA0  }
0x70: {  	[sflag:s20] =	ssyncset.done $0x0  }
0x71: {  	[sflag:s20] =	ssyncadd.s32 $0xFFFFFF60  }
0x72: {  	v4 =	vld [tilespmem:s4+$0x2000];
	_ =	sdelay $0x4  }
0x73: {  	v5 =	vshrl.u32 v4, $0x3  }
0x74: {  	v5 =	vmul.u32 $0x18, v5  }
0x75: {  	v4 =	vand.u32 $0x7, v4  }
0x76: {  	v4 =	vor.u32 v4, v5  }
0x77: {  	v5 =	vperm.xlane v4, v1;
	_ =	sdelay $0x1  }
0x78: {  	v5 =	vadd.s32 v2, v5;
	_ =	sdelay $0x1  }
0x79: {  	v4 =	vperm.xlane v4, v3;
	_ =	sdelay $0x1  }
0x7a: {  	v4 =	vadd.s32 v2, v4  }
0x7b: {  	[tilespmem:s24], [sflag:$0x1] =	stream.indirect_vreg.gather [hbm4b:s2+s3], $0x80, v5, vm0, $0xb8;
	[tilespmem:$0xC000] =	vst v63  }
0x7c: {  	s28 =	simm.s32 $0x5000  }
0x7d: {  	[tilespmem:s28], [sflag:$0x1] =	stream.indirect_vreg.gather [hbm4b:s14+s3], $0x80, v5, vm1, $0xb8;
	[tilespmem:$0xC000] =	vst v63  }
0x7e: {  	s29 =	simm.s32 $0x5400  }
0x7f: {  	[tilespmem:s29], [sflag:$0x1] =	stream.indirect_vreg.gather [hbm4b:s2+s3], $0x80, v4, vm0, $0xb8;
	[tilespmem:$0xC000] =	vst v63  }
0x80: {  	s30 =	simm.s32 $0x5C00  }
0x81: {  	[tilespmem:s30], [sflag:$0x1] =	stream.indirect_vreg.gather [hbm4b:s14+s3], $0x80, v4, vm1, $0xb8;
	[tilespmem:$0xC000] =	vst v63  }
0x82: {  	v4 =	vld [tilespmem:s4+$0x2010];
	_ =	sdelay $0x4  }
0x83: {  	v5 =	vshrl.u32 v4, $0x3  }
0x84: {  	v5 =	vmul.u32 $0x18, v5  }
0x85: {  	v4 =	vand.u32 $0x7, v4  }
0x86: {  	v4 =	vor.u32 v4, v5  }
0x87: {  	v5 =	vperm.xlane v4, v1;
	_ =	sdelay $0x1  }
0x88: {  	v5 =	vadd.s32 v2, v5;
	_ =	sdelay $0x1  }
0x89: {  	v4 =	vperm.xlane v4, v3;
	_ =	sdelay $0x1  }
0x8a: {  	v4 =	vadd.s32 v2, v4  }
0x8b: {  	[tilespmem:s31], [sflag:$0x1] =	stream.indirect_vreg.gather [hbm4b:s2+s3], $0x80, v5, vm0, $0xb8;
	[tilespmem:$0xC000] =	vst v63  }
0x8c: {  	_ = 	snop  }
0x8d: {  	[tilespmem:s0], [sflag:$0x1] =	stream.indirect_vreg.gather [hbm4b:s14+s3], $0x80, v5, vm1, $0xb8;
	[tilespmem:$0xC000] =	vst v63  }
0x8e: {  	_ = 	snop  }
0x8f: {  	[tilespmem:s1], [sflag:$0x1] =	stream.indirect_vreg.gather [hbm4b:s2+s3], $0x80, v4, vm0, $0xb8;
	[tilespmem:$0xC000] =	vst v63  }
0x90: {  	_ = 	snop  }
0x91: {  	[tilespmem:s21], [sflag:$0x1] =	stream.indirect_vreg.gather [hbm4b:s14+s3], $0x80, v4, vm1, $0xb8;
	[tilespmem:$0xC000] =	vst v63  }
0x92: {  	v4 =	vld.msk [tilespmem:s4+$0x2020], $0xff;
	_ =	sdelay $0x4  }
0x93: {  	v5 =	vshrl.u32 v4, $0x3  }
0x94: {  	v5 =	vmul.u32 $0x18, v5  }
0x95: {  	v4 =	vand.u32 $0x7, v4  }
0x96: {  	v4 =	vor.u32 v4, v5  }
0x97: {  	v4 =	vperm.xlane v4, v1;
	_ =	sdelay $0x1  }
0x98: {  	v4 =	vadd.s32 v2, v4;
	_ =	sdelay $0x4  }
0x99: {  	[tilespmem:s6], [sflag:$0x1] =	stream.indirect_vreg.gather [hbm4b:s2+s3], $0x80, v4, vm0, $0xb8;
	[tilespmem:$0xC000] =	vst v63  }
0x9a: {  	s9 =	rddreg [dreg:$0xe]  }
0x9b: {  	[tilespmem:s7], [sflag:$0x1] =	stream.indirect_vreg.gather [hbm4b:s14+s3], $0x80, v4, vm1, $0xb8;
	[tilespmem:$0xC000] =	vst v63  }
0x9c: {  	v4 =	vld [tilespmem:s9+$0x2000];
	_ =	sdelay $0x4  }
0x9d: {  	v5 =	vshrl.u32 v4, $0x3  }
0x9e: {  	v5 =	vmul.u32 $0x18, v5  }
0x9f: {  	v4 =	vand.u32 $0x7, v4  }
0xa0: {  	v4 =	vor.u32 v4, v5  }
0xa1: {  	v5 =	vperm.xlane v4, v1;
	_ =	sdelay $0x1  }
0xa2: {  	v5 =	vadd.s32 v2, v5;
	_ =	sdelay $0x1  }
0xa3: {  	v4 =	vperm.xlane v4, v3;
	_ =	sdelay $0x1  }
0xa4: {  	v4 =	vadd.s32 v2, v4  }
0xa5: {  	[tilespmem:s5], [sflag:$0x1] =	stream.indirect_vreg.gather [hbm4b:s2+s3], $0x80, v5, vm0, $0xb8;
	[tilespmem:$0xC000] =	vst v63  }
0xa6: {  	_ = 	snop  }
0xa7: {  	[tilespmem:s8], [sflag:$0x1] =	stream.indirect_vreg.gather [hbm4b:s14+s3], $0x80, v5, vm1, $0xb8;
	[tilespmem:$0xC000] =	vst v63  }
0xa8: {  	_ = 	snop  }
0xa9: {  	[tilespmem:s12], [sflag:$0x1] =	stream.indirect_vreg.gather [hbm4b:s2+s3], $0x80, v4, vm0, $0xb8;
	[tilespmem:$0xC000] =	vst v63  }
0xaa: {  	_ = 	snop  }
0xab: {  	[tilespmem:s13], [sflag:$0x1] =	stream.indirect_vreg.gather [hbm4b:s14+s3], $0x80, v4, vm1, $0xb8;
	[tilespmem:$0xC000] =	vst v63  }
0xac: {  	v4 =	vld [tilespmem:s9+$0x2010];
	_ =	sdelay $0x4  }
0xad: {  	v5 =	vshrl.u32 v4, $0x3  }
0xae: {  	v5 =	vmul.u32 $0x18, v5  }
0xaf: {  	v4 =	vand.u32 $0x7, v4  }
0xb0: {  	v4 =	vor.u32 v4, v5  }
0xb1: {  	v5 =	vperm.xlane v4, v1;
	_ =	sdelay $0x1  }
0xb2: {  	v5 =	vadd.s32 v2, v5;
	_ =	sdelay $0x1  }
0xb3: {  	v4 =	vperm.xlane v4, v3;
	_ =	sdelay $0x1  }
0xb4: {  	v4 =	vadd.s32 v2, v4  }
0xb5: {  	[tilespmem:s15], [sflag:$0x1] =	stream.indirect_vreg.gather [hbm4b:s2+s3], $0x80, v5, vm0, $0xb8;
	[tilespmem:$0xC000] =	vst v63  }
0xb6: {  	_ = 	snop  }
0xb7: {  	[tilespmem:s16], [sflag:$0x1] =	stream.indirect_vreg.gather [hbm4b:s14+s3], $0x80, v5, vm1, $0xb8;
	[tilespmem:$0xC000] =	vst v63  }
0xb8: {  	_ = 	snop  }
0xb9: {  	[tilespmem:s17], [sflag:$0x1] =	stream.indirect_vreg.gather [hbm4b:s2+s3], $0x80, v4, vm0, $0xb8;
	[tilespmem:$0xC000] =	vst v63  }
0xba: {  	_ = 	snop  }
0xbb: {  	[tilespmem:s18], [sflag:$0x1] =	stream.indirect_vreg.gather [hbm4b:s14+s3], $0x80, v4, vm1, $0xb8;
	[tilespmem:$0xC000] =	vst v63  }
0xbc: {  	v4 =	vld.msk [tilespmem:s4+$0x2048], $0xff;
	_ =	sdelay $0x4  }
0xbd: {  	v5 =	vshrl.u32 v4, $0x3  }
0xbe: {  	v5 =	vmul.u32 $0x18, v5  }
0xbf: {  	v4 =	vand.u32 $0x7, v4  }
0xc0: {  	v4 =	vor.u32 v4, v5  }
0xc1: {  	v4 =	vperm.xlane v4, v1;
	_ =	sdelay $0x1  }
0xc2: {  	v4 =	vadd.s32 v2, v4;
	_ =	sdelay $0x3  }
0xc3: {  	s9 =	simm.s32 $0xB400  }
0xc4: {  	[tilespmem:s9], [sflag:$0x1] =	stream.indirect_vreg.gather [hbm4b:s2+s3], $0x80, v4, vm0, $0xb8;
	[tilespmem:$0xC000] =	vst v63  }
0xc5: {  	_ = 	snop  }
0xc6: {  	[tilespmem:s10], [sflag:$0x1] =	stream.indirect_vreg.gather [hbm4b:s14+s3], $0x80, v4, vm1, $0xb8;
	[tilespmem:$0xC000] =	vst v63  }
0xc7: {  	_ =	swait.ge [sflag:s19], $0x3C00  }
0xc8: {  	[sflag:s19] =	ssyncset.done $0x0  }
0xc9: {  	s26 =	rddreg [dreg:$0x9];
	[sflag:s19] =	ssyncadd.s32 $0xFFFFC400  }
0xca: {  	[hbm4b:s26+s3] =	stream.linear.scatter [tilespmem:s24], [sflag:$0x2], $0x3C00, $0x38;
	[tilespmem:$0xC000] =	vst v63  }
0xcb: {  	_ =	swait.ge [sflag:s20], $0x3C00  }
0xcc: {  	[sflag:s20] =	ssyncset.done $0x0  }
0xcd: {  	s26 =	rddreg [dreg:$0xf];
	[sflag:s20] =	ssyncadd.s32 $0xFFFFC400  }
0xce: {  	v4 =	vld [tilespmem:s26+$0x2000];
	_ =	sdelay $0x4  }
0xcf: {  	v5 =	vshrl.u32 v4, $0x3  }
0xd0: {  	v5 =	vmul.u32 $0x18, v5  }
0xd1: {  	v4 =	vand.u32 $0x7, v4  }
0xd2: {  	v4 =	vor.u32 v4, v5  }
0xd3: {  	v5 =	vperm.xlane v4, v1;
	_ =	sdelay $0x1  }
0xd4: {  	v5 =	vadd.s32 v2, v5;
	_ =	sdelay $0x1  }
0xd5: {  	v4 =	vperm.xlane v4, v3;
	_ =	sdelay $0x1  }
0xd6: {  	v4 =	vadd.s32 v2, v4  }
0xd7: {  	[tilespmem:s24], [sflag:$0x1] =	stream.indirect_vreg.gather [hbm4b:s2+s3], $0x80, v5, vm0, $0xb8;
	[tilespmem:$0xC000] =	vst v63  }
0xd8: {  	_ = 	snop  }
0xd9: {  	[tilespmem:s28], [sflag:$0x1] =	stream.indirect_vreg.gather [hbm4b:s14+s3], $0x80, v5, vm1, $0xb8;
	[tilespmem:$0xC000] =	vst v63  }
0xda: {  	_ = 	snop  }
0xdb: {  	[tilespmem:s29], [sflag:$0x1] =	stream.indirect_vreg.gather [hbm4b:s2+s3], $0x80, v4, vm0, $0xb8;
	[tilespmem:$0xC000] =	vst v63  }
0xdc: {  	_ = 	snop  }
0xdd: {  	[tilespmem:s30], [sflag:$0x1] =	stream.indirect_vreg.gather [hbm4b:s14+s3], $0x80, v4, vm1, $0xb8;
	[tilespmem:$0xC000] =	vst v63  }
0xde: {  	v4 =	vld [tilespmem:s26+$0x2010];
	_ =	sdelay $0x4  }
0xdf: {  	v5 =	vshrl.u32 v4, $0x3  }
0xe0: {  	v5 =	vmul.u32 $0x18, v5  }
0xe1: {  	v4 =	vand.u32 $0x7, v4  }
0xe2: {  	v4 =	vor.u32 v4, v5  }
0xe3: {  	v5 =	vperm.xlane v4, v1;
	_ =	sdelay $0x1  }
0xe4: {  	v5 =	vadd.s32 v2, v5;
	_ =	sdelay $0x1  }
0xe5: {  	v4 =	vperm.xlane v4, v3;
	_ =	sdelay $0x1  }
0xe6: {  	v4 =	vadd.s32 v2, v4  }
0xe7: {  	[tilespmem:s31], [sflag:$0x1] =	stream.indirect_vreg.gather [hbm4b:s2+s3], $0x80, v5, vm0, $0xb8;
	[tilespmem:$0xC000] =	vst v63  }
0xe8: {  	_ = 	snop  }
0xe9: {  	[tilespmem:s0], [sflag:$0x1] =	stream.indirect_vreg.gather [hbm4b:s14+s3], $0x80, v5, vm1, $0xb8;
	[tilespmem:$0xC000] =	vst v63  }
0xea: {  	_ = 	snop  }
0xeb: {  	[tilespmem:s1], [sflag:$0x1] =	stream.indirect_vreg.gather [hbm4b:s2+s3], $0x80, v4, vm0, $0xb8;
	[tilespmem:$0xC000] =	vst v63  }
0xec: {  	_ = 	snop  }
0xed: {  	[tilespmem:s21], [sflag:$0x1] =	stream.indirect_vreg.gather [hbm4b:s14+s3], $0x80, v4, vm1, $0xb8;
	[tilespmem:$0xC000] =	vst v63  }
0xee: {  	v4 =	vld.msk [tilespmem:s4+$0x2070], $0xff;
	_ =	sdelay $0x4  }
0xef: {  	v5 =	vshrl.u32 v4, $0x3  }
0xf0: {  	v5 =	vmul.u32 $0x18, v5  }
0xf1: {  	v4 =	vand.u32 $0x7, v4  }
0xf2: {  	v4 =	vor.u32 v4, v5  }
0xf3: {  	v4 =	vperm.xlane v4, v1;
	_ =	sdelay $0x1  }
0xf4: {  	v4 =	vadd.s32 v2, v4;
	_ =	sdelay $0x4  }
0xf5: {  	[tilespmem:s6], [sflag:$0x1] =	stream.indirect_vreg.gather [hbm4b:s2+s3], $0x80, v4, vm0, $0xb8;
	[tilespmem:$0xC000] =	vst v63  }
0xf6: {  	_ = 	snop  }
0xf7: {  	[tilespmem:s7], [sflag:$0x1] =	stream.indirect_vreg.gather [hbm4b:s14+s3], $0x80, v4, vm1, $0xb8;
	[tilespmem:$0xC000] =	vst v63  }
0xf8: {  	_ =	swait.ge [sflag:s19], $0x3C00  }
0xf9: {  	[sflag:s19] =	ssyncset.done $0x0  }
0xfa: {  	s30 =	rddreg [dreg:$0xa];
	[sflag:s19] =	ssyncadd.s32 $0xFFFFC400  }
0xfb: {  	[hbm4b:s30+s3] =	stream.linear.scatter [tilespmem:s5], [sflag:$0x2], $0x3C00, $0x38;
	[tilespmem:$0xC000] =	vst v63  }
0xfc: {  	_ =	swait.ge [sflag:s20], $0x3C00  }
0xfd: {  	[sflag:s20] =	ssyncset.done $0x0  }
0xfe: {  	[sflag:s20] =	ssyncadd.s32 $0xFFFFC400  }
0xff: {  	v4 =	vld [tilespmem:s11+$0x2000];
	_ =	sdelay $0x4  }
0x100: {  	v5 =	vshrl.u32 v4, $0x3  }
0x101: {  	v5 =	vmul.u32 $0x18, v5  }
0x102: {  	v4 =	vand.u32 $0x7, v4  }
0x103: {  	v4 =	vor.u32 v4, v5  }
0x104: {  	v5 =	vperm.xlane v4, v1;
	_ =	sdelay $0x1  }
0x105: {  	v5 =	vadd.s32 v2, v5;
	_ =	sdelay $0x1  }
0x106: {  	v4 =	vperm.xlane v4, v3;
	_ =	sdelay $0x1  }
0x107: {  	v4 =	vadd.s32 v2, v4  }
0x108: {  	[tilespmem:s5], [sflag:$0x1] =	stream.indirect_vreg.gather [hbm4b:s2+s3], $0x80, v5, vm0, $0xb8;
	[tilespmem:$0xC000] =	vst v63  }
0x109: {  	_ = 	snop  }
0x10a: {  	[tilespmem:s8], [sflag:$0x1] =	stream.indirect_vreg.gather [hbm4b:s14+s3], $0x80, v5, vm1, $0xb8;
	[tilespmem:$0xC000] =	vst v63  }
0x10b: {  	_ = 	snop  }
0x10c: {  	[tilespmem:s12], [sflag:$0x1] =	stream.indirect_vreg.gather [hbm4b:s2+s3], $0x80, v4, vm0, $0xb8;
	[tilespmem:$0xC000] =	vst v63  }
0x10d: {  	_ = 	snop  }
0x10e: {  	[tilespmem:s13], [sflag:$0x1] =	stream.indirect_vreg.gather [hbm4b:s14+s3], $0x80, v4, vm1, $0xb8;
	[tilespmem:$0xC000] =	vst v63  }
0x10f: {  	v4 =	vld [tilespmem:s11+$0x2010];
	_ =	sdelay $0x4  }
0x110: {  	v5 =	vshrl.u32 v4, $0x3  }
0x111: {  	v5 =	vmul.u32 $0x18, v5  }
0x112: {  	v4 =	vand.u32 $0x7, v4  }
0x113: {  	v4 =	vor.u32 v4, v5  }
0x114: {  	v5 =	vperm.xlane v4, v1;
	_ =	sdelay $0x1  }
0x115: {  	v5 =	vadd.s32 v2, v5;
	_ =	sdelay $0x1  }
0x116: {  	v4 =	vperm.xlane v4, v3;
	_ =	sdelay $0x1  }
0x117: {  	v4 =	vadd.s32 v2, v4  }
0x118: {  	[tilespmem:s15], [sflag:$0x1] =	stream.indirect_vreg.gather [hbm4b:s2+s3], $0x80, v5, vm0, $0xb8;
	[tilespmem:$0xC000] =	vst v63  }
0x119: {  	_ = 	snop  }
0x11a: {  	[tilespmem:s16], [sflag:$0x1] =	stream.indirect_vreg.gather [hbm4b:s14+s3], $0x80, v5, vm1, $0xb8;
	[tilespmem:$0xC000] =	vst v63  }
0x11b: {  	_ = 	snop  }
0x11c: {  	[tilespmem:s17], [sflag:$0x1] =	stream.indirect_vreg.gather [hbm4b:s2+s3], $0x80, v4, vm0, $0xb8;
	[tilespmem:$0xC000] =	vst v63  }
0x11d: {  	_ = 	snop  }
0x11e: {  	[tilespmem:s18], [sflag:$0x1] =	stream.indirect_vreg.gather [hbm4b:s14+s3], $0x80, v4, vm1, $0xb8;
	[tilespmem:$0xC000] =	vst v63  }
0x11f: {  	v4 =	vld.msk [tilespmem:s4+$0x2098], $0xff;
	_ =	sdelay $0x4  }
0x120: {  	v5 =	vshrl.u32 v4, $0x3  }
0x121: {  	v5 =	vmul.u32 $0x18, v5  }
0x122: {  	v4 =	vand.u32 $0x7, v4  }
0x123: {  	v4 =	vor.u32 v4, v5  }
0x124: {  	v4 =	vperm.xlane v4, v1;
	_ =	sdelay $0x1  }
0x125: {  	v4 =	vadd.s32 v2, v4;
	_ =	sdelay $0x4  }
0x126: {  	[tilespmem:s9], [sflag:$0x1] =	stream.indirect_vreg.gather [hbm4b:s2+s3], $0x80, v4, vm0, $0xb8;
	[tilespmem:$0xC000] =	vst v63  }
0x127: {  	_ = 	snop  }
0x128: {  	[tilespmem:s10], [sflag:$0x1] =	stream.indirect_vreg.gather [hbm4b:s14+s3], $0x80, v4, vm1, $0xb8;
	[tilespmem:$0xC000] =	vst v63  }
0x129: {  	_ =	swait.ge [sflag:s19], $0x3C00  }
0x12a: {  	[sflag:s19] =	ssyncset.done $0x0  }
0x12b: {  	s28 =	rddreg [dreg:$0xb];
	[sflag:s19] =	ssyncadd.s32 $0xFFFFC400  }
0x12c: {  	[hbm4b:s28+s3] =	stream.linear.scatter [tilespmem:s24], [sflag:$0x2], $0x3C00, $0x38;
	[tilespmem:$0xC000] =	vst v63  }
0x12d: {  	_ =	swait.ge [sflag:s20], $0x3C00  }
0x12e: {  	[sflag:s20] =	ssyncset.done $0x0  }
0x12f: {  	[sflag:s20] =	ssyncadd.s32 $0xFFFFC400  }
0x130: {  	_ =	swait.ge [sflag:s19], $0x3C00  }
0x131: {  	[sflag:s19] =	ssyncset.done $0x0  }
0x132: {  	s29 =	rddreg [dreg:$0xc];
	[sflag:s19] =	ssyncadd.s32 $0xFFFFC400  }
0x133: {  	[hbm4b:s29+s3] =	stream.linear.scatter [tilespmem:s5], [sflag:$0x2], $0x3C00, $0x38;
	[tilespmem:$0xC000] =	vst v63  }
0x134: {  	_ =	swait.ge [sflag:s20], $0x3C00  }
0x135: {  	s25 =	sadd.s32 $0x1, s25;
	s30 =	rddreg [dreg:$0xd]  }
0x136: {  	p0 =	sne.s32 s25, s30  }
.Ltmp1:
0x137: {  	_ = 	snop;
	(pc) =	sbr.rel @p0 .LBB2_1-.Ltmp1, $3  }
0x138: {  	_ =	sdelay $0x1  }
0x139: {  	[sflag:s20] =	ssyncset.done $0x0  }
0x13a: {  	[sflag:s20] =	ssyncadd.s32 $0xFFFFC400  }
0x13b: {  	_ =	sfence.sel $0x180000  }
0x13c: {  	[bflag:$0x0] =	sbarrier.arrive $0xFFFF  }
0x13d: {  	_ =	strace $0x90000047  }
0x13e: {  	s0 =	stileid.u32;
	[bflag:$0x2] =	sbarrier.arrive $0xFFFF  }
0x13f: {  	p0 =	sne.s32 s0, $0x0;
	s0 =	rddreg [dreg:$0x2]  }
0x140: {  	s0 =	sadd.s32 @!p0 $0x100000, s0  }
0x141: {  	[sflag:s0] =	ssyncadd.tile.s32 @!p0 $0x1;
	_ =	shalt  }
.Lfunc_end2:
_tile_overlayer_lowered:
.L_overlay_start_2:
0x142: {  	(tag) =	ssettag $0x2  }
0x143: {  	s0 =	rddreg [dreg:$0x0];
	s2 =	stileid.u32  }
0x144: {  	s1 =	rddreg [dreg:$0x1];
	p0 =	sne.s32 s2, $0x0  }
0x145: {  	s3 =	rddreg [dreg:$0x2];
	[bflag:$0x3] =	sbarrier.arrive $0xFFFF;
	s2 =	simm.s32 @!p0 $0x1C02  }
0x146: {  	[timem:s3], [sflag:s2] =	dma.local @!p0 [hbm:s0], s1  }
0x147: {  	s0 =	simm.s32 @!p0 $0x2  }
0x148: {  	_ =	swait.ge @!p0 [sflag:s0], s1  }
0x149: {  	s1 =	ssub.s32 @!p0 $0x0, s1;
	[sflag:s0] =	ssyncset.done @!p0 $0x0  }
0x14a: {  	[sflag:s0] =	ssyncadd.s32 @!p0 s1  }
0x14b: {  	[bflag:$0x3] =	sbarrier.arrive $0xFFFF  }
0x14c: {  	_ =	shalt  }

// kernel: kernel.9.cloned.1.call-start
scs
__scs_entry_jumppad:
0x0: {  	(pc) =	sbr.rel $0x88, $3  }
0x1: {  	(tag) =	ssettag $0x0;
	lr =	simm.s32 $0x1  }
0x2: {  	[smem:$0x3F9C] =	sst lr;
	_ =	strace $0xD0000000  }
0x3: {  	_ = 	snop  }
0x4: {  	_ = 	snop  }
0x5: {  	_ = 	snop  }
0x6: {  	_ = 	snop  }
0x7: {  	_ = 	snop  }
__scs_overlays_trampoline_lowered:
0x8: {  	[smem:$0x3FAB] =	sst s0  }
0x9: {  	[smem:$0x3FAC] =	sst s1  }
0xa: {  	[smem:$0x3FAD] =	sst s2  }
0xb: {  	[smem:$0x3FAE] =	sst s3  }
0xc: {  	[smem:$0x3FAF] =	sst s4  }
0xd: {  	[smem:$0x3FB0] =	sst s5  }
0xe: {  	[smem:$0x3FB1] =	sst s6  }
0xf: {  	[smem:$0x3FB2] =	sst s7  }
0x10: {  	[smem:$0x3FB3] =	sst s8  }
0x11: {  	[smem:$0x3FB4] =	sst s9;
	s0 =	simm.s32 @!p0 $0x0  }
0x12: {  	s1 =	sld [smem:$0x3F9A];
	s0 =	simm.s32 @p0 $0x1  }
0x13: {  	[smem:$0x3FB5] =	sst s0;
	s0 =	simm.s32 @!p1 $0x0  }
0x14: {  	s2 =	sld [smem:$0x3F99];
	s0 =	simm.s32 @p1 $0x1  }
0x15: {  	[smem:$0x3FB6] =	sst s0;
	s0 =	simm.s32 @!p2 $0x0  }
0x16: {  	s3 =	sld [smem:$0x3FDB];
	s0 =	simm.s32 @p2 $0x1  }
0x17: {  	s4 =	simm.s32 $0x1BF5;
	[smem:$0x3FB8] =	sst s0  }
0x18: {  	s0 =	sld [smem:$0x3F9B];
	_ =	swait.ge [sflag:s4], $0x0  }
0x19: {  	s7 =	sld [smem:$0x3F9C]  }
0x1a: {  	s8 =	sadd.s32 $0xFFFFE003, lr  }
0x1b: {  	s9 =	sadd.s32 $0xFFFFFEF7, lr;
	s5 =	simm.s32 $0xFFFFFFFF;
	p2 =	slt.u32 s8, $0xFFFFF086  }
0x1c: {  	p1 =	slt.u32 s9, $0xF7A;
	s5 =	simm.s32 @!p2 $0x0  }
0x1d: {  	s5 =	simm.s32 @p1 $0x1;
	p0 =	seq.s32 s7, s2  }
0x1e: {  	s7 =	smul.u32 @!p0 $0xF7A, s2;
	p2 =	seq.s32 @!p0 s5, $0x0  }
0x1f: {  	s9 =	smul.u32 $0xF7A, s1;
	s8 =	simm.s32 @!p0 $0x1BF5;
	p2 =	por !p2, p0  }
0x20: {  	[sflag:s8] =	ssyncset.s32 @!p0 $0xFFFFF086;
	s6 =	sadd.s32 @!p0 s3, s7;
	s7 =	simm.s32 @!p0 $0x108  }
0x21: {  	s3 =	sadd.s32 s3, s9;
	s6 =	sadd.s32 @!p0 $0x88, s6;
	s7 =	simm.s32 @p2 $0x1082  }
0x22: {  	[simem:s7], [sflag:s8] =	dma.local @!p0 [hbm:s6], $0xF7A  }
0x23: {  	s9 =	sor.u32 $0xD0000000, s2;
	s6 =	simm.s32 $0x108;
	_ =	swait.ge @!p0 [sflag:s8], $0x0  }
0x24: {  	s3 =	sadd.s32 $0x88, s3;
	s6 =	simm.s32 @!p1 $0x1082;
	[sflag:s4] =	ssyncset.s32 $0xFFFFF086  }
0x25: {  	[simem:s6], [sflag:s4] =	dma.local [hbm:s3], $0xF7A  }
0x26: {  	[smem:$0x3F9C] =	sst s1;
	(tag) =	ssettag s2;
	_ =	strace s9  }
0x27: {  	s1 =	sld [smem:$0x3FAC]  }
0x28: {  	s2 =	sld [smem:$0x3FAD]  }
0x29: {  	s4 =	sld [smem:$0x3FAF]  }
0x2a: {  	p0 =	seq.s32 s5, $0x0;
	s5 =	sld [smem:$0x3FB0]  }
0x2b: {  	s6 =	sld [smem:$0x3FB1]  }
0x2c: {  	s7 =	sld [smem:$0x3FB2]  }
0x2d: {  	s3 =	simm.s32 $0x108;
	s8 =	sld [smem:$0x3FB3]  }
0x2e: {  	s3 =	simm.s32 @!p0 $0x1082;
	s9 =	sld [smem:$0x3FB4]  }
0x2f: {  	lr =	sadd.s32 s0, s3;
	s0 =	sld [smem:$0x3FAB]  }
0x30: {  	s3 =	sld [smem:$0x3FAE]  }
0x31: {  	[smem:$0x3FB7] =	sst s10  }
0x32: {  	s10 =	sld [smem:$0x3FB5];
	_ =	sdelay $0x3  }
0x33: {  	p0 =	seq.s32 s10, $0x1;
	s10 =	sld [smem:$0x3FB7];
	_ =	sdelay $0x3  }
0x34: {  	[smem:$0x3FB7] =	sst s10  }
0x35: {  	s10 =	sld [smem:$0x3FB6];
	_ =	sdelay $0x3  }
0x36: {  	p1 =	seq.s32 s10, $0x1;
	s10 =	sld [smem:$0x3FB7];
	_ =	sdelay $0x3  }
0x37: {  	[smem:$0x3FB7] =	sst s10  }
0x38: {  	s10 =	sld [smem:$0x3FB8]  }
0x39: {  	_ = 	snop;
	(pc) =	sbr.ind lr, $3  }
0x3a: {  	_ = 	snop  }
0x3b: {  	_ = 	snop  }
0x3c: {  	p2 =	seq.s32 s10, $0x1;
	s10 =	sld [smem:$0x3FB7]  }
0x3d: {  	_ =	shalt  }
0x3e: {  	_ =	shalt  }
0x3f: {  	_ =	shalt  }
0x40: {  	_ =	shalt  }
0x41: {  	_ =	shalt  }
0x42: {  	_ =	shalt  }
0x43: {  	_ =	shalt  }
0x44: {  	_ =	shalt  }
0x45: {  	_ =	shalt  }
0x46: {  	_ =	shalt  }
0x47: {  	_ =	shalt  }
0x48: {  	_ =	shalt  }
0x49: {  	_ =	shalt  }
0x4a: {  	_ =	shalt  }
0x4b: {  	_ =	shalt  }
0x4c: {  	_ =	shalt  }
0x4d: {  	_ =	shalt  }
0x4e: {  	_ =	shalt  }
0x4f: {  	_ =	shalt  }
0x50: {  	_ =	shalt  }
0x51: {  	_ =	shalt  }
0x52: {  	_ =	shalt  }
0x53: {  	_ =	shalt  }
0x54: {  	_ =	shalt  }
0x55: {  	_ =	shalt  }
0x56: {  	_ =	shalt  }
0x57: {  	_ =	shalt  }
0x58: {  	_ =	shalt  }
0x59: {  	_ =	shalt  }
0x5a: {  	_ =	shalt  }
0x5b: {  	_ =	shalt  }
0x5c: {  	_ =	shalt  }
0x5d: {  	_ =	shalt  }
0x5e: {  	_ =	shalt  }
0x5f: {  	_ =	shalt  }
0x60: {  	_ =	shalt  }
0x61: {  	_ =	shalt  }
0x62: {  	_ =	shalt  }
0x63: {  	_ =	shalt  }
0x64: {  	_ =	shalt  }
0x65: {  	_ =	shalt  }
0x66: {  	_ =	shalt  }
0x67: {  	_ =	shalt  }
0x68: {  	_ =	shalt  }
0x69: {  	_ =	shalt  }
0x6a: {  	_ =	shalt  }
0x6b: {  	_ =	shalt  }
0x6c: {  	_ =	shalt  }
0x6d: {  	_ =	shalt  }
0x6e: {  	_ =	shalt  }
0x6f: {  	_ =	shalt  }
0x70: {  	_ =	shalt  }
0x71: {  	_ =	shalt  }
0x72: {  	_ =	shalt  }
0x73: {  	_ =	shalt  }
0x74: {  	_ =	shalt  }
0x75: {  	_ =	shalt  }
0x76: {  	_ =	shalt  }
0x77: {  	_ =	shalt  }
0x78: {  	_ =	shalt  }
0x79: {  	_ =	shalt  }
0x7a: {  	_ =	shalt  }
0x7b: {  	_ =	shalt  }
0x7c: {  	_ =	shalt  }
0x7d: {  	_ =	shalt  }
0x7e: {  	_ =	shalt  }
0x7f: {  	_ =	shalt  }
0x80: {  	_ =	shalt  }
0x81: {  	_ =	shalt  }
0x82: {  	_ =	shalt  }
0x83: {  	_ =	shalt  }
0x84: {  	_ =	shalt  }
0x85: {  	_ =	shalt  }
0x86: {  	_ =	shalt  }
0x87: {  	_ =	shalt  }
.Lfunc_end0:
.L_simem_size_0:
called_computation.1_lowered:
.L_overlay_start_0:
0x88: {  	s2 =	sld [smem:$0x3FD9]  }
0x89: {  	s3 =	sld [smem:$0x3FFE];
	_ =	sdelay $0x1  }
0x8a: {  	s1 =	srdreg.scid  }
0x8b: {  	s0 =	sand.u32 $0x1, s1  }
0x8c: {  	s14 =	sshll.u32 s0, $0xA;
	s2 =	sadd.s32 s3, s2  }
0x8d: {  	s2 =	sadd.s32 s2, s14  }
0x8e: {  	[smem:$0x3FC3] =	sst s2  }
0x8f: {  	_ = 	snop  }
0x90: {  	s2 =	sld [smem:$0x3FD0];
	_ =	sdelay $0x2  }
0x91: {  	s15 =	simm.s32 $0xA;
	s4 =	simm.s32 $0x10  }
0x92: {  	[smem:s4], [sflag:s15] =	dma.local [hbm:s2], $0x1  }
0x93: {  	_ =	swait.eq [sflag:s15], $0x1  }
0x94: {  	[sflag:s15] =	ssyncset.done $0x0  }
0x95: {  	[sflag:s15] =	ssyncadd.s32 $0xFFFFFFFF  }
0x96: {  	s16 =	sld [smem:$0x10];
	(tm) =	ssettm $0x1  }
0x97: {  	s17 =	sld [smem:$0x3FFB];
	_ =	sdelay $0x3  }
0x98: {  	_ =	strace s17  }
0x99: {  	s3 =	sld [smem:$0x3FFC];
	_ =	sdelay $0x3  }
0x9a: {  	_ =	strace s3  }
0x9b: {  	s3 =	sld [smem:$0x3FFD];
	_ =	sdelay $0x3  }
0x9c: {  	_ =	strace s3  }
0x9d: {  	_ =	strace $0x8FFFFFFF  }
0x9e: {  	s18 =	sld [smem:$0x3FDB];
	_ =	sdelay $0x1  }
0x9f: {  	s19 =	simm.s32 $_scs_section_size  }
0xa0: {  	s5 =	simm.s32 $_size__tile_overlayer_lowered;
	s6 =	simm.s32 $_tile_overlayer_lowered  }
0xa1: {  	s22 =	simm.s32 $0x1BFF;
	s21 =	sshll.u32 s6, $0x1;
	s3 =	sadd.s32 s19, s18  }
0xa2: {  	s7 =	simm.s32 $0x0;
	s20 =	sshll.u32 s5, $0x1;
	s5 =	sadd.s32 s21, s3  }
0xa3: {  	[timem:s7], [sflag:s22] =	dma.local [hbm:s5], s20  }
0xa4: {  	_ =	swait.ge [sflag:s22], s20  }
0xa5: {  	s4 =	ssub.s32 $0x0, s20;
	[sflag:s22] =	ssyncset.done $0x0  }
0xa6: {  	[sflag:s22] =	ssyncadd.s32 s4;
	_ =	sdelay $0x1  }
0xa7: {  	s23 =	simm.s32 $0x1B8B  }
0xa8: {  	_ =	swait.ge [sflag:s23], $0x1  }
0xa9: {  	[sflag:s23] =	ssyncset.done $0x0  }
0xaa: {  	s25 =	simm.s32 $0x1B8E;
	s24 =	sld [smem:$0x3FFE];
	[sflag:s23] =	ssyncadd.s32 $0xFFFFFFFF  }
0xab: {  	s26 =	simm.s32 $execute0_lowered;
	[smem:$0x3FD2] =	sst s25  }
0xac: {  	s5 =	sshll.u32 s26, $0x1;
	_ =	strace $0x80000049;
	[dreg:$0x1] =	wrdreg $0xFFFFFFFF  }
0xad: {  	s28 =	simm.s32 $_size_execute0_lowered;
	s3 =	sadd.s32 s3, s5;
	[dreg:$0x0] =	wrdreg $0x0  }
0xae: {  	s5 =	sshll.u32 s28, $0x1;
	[dreg:$0x2] =	wrdreg s3  }
0xaf: {  	[dreg:$0x3] =	wrdreg s5  }
0xb0: {  	[dreg:$0x4] =	wrdreg $0xC0  }
0xb1: {  	_ =	task [dreg:s7], $0x5FFFF  }
0xb2: {  	[dreg:$0x1] =	wrdreg $0xFFFFFFFF  }
0xb3: {  	[dreg:$0x0] =	wrdreg $0x60  }
0xb4: {  	[dreg:$0x2] =	wrdreg s24  }
0xb5: {  	[dreg:$0x3] =	wrdreg s16  }
0xb6: {  	[dreg:$0x4] =	wrdreg $0x9  }
0xb7: {  	_ =	task.clear_ibuf [dreg:s7], $0x5FFFF;
	_ =	strace $0x90000049  }
0xb8: {  	s29 =	simm.s32 $0x9;
	_ =	strace $0x8000004B  }
0xb9: {  	_ =	swait.ge [sflag:s29], $0x1  }
0xba: {  	[sflag:s29] =	ssyncadd.s32 $0xFFFFFFFF  }
0xbb: {  	_ =	strace $0x9000004B  }
0xbc: {  	_ =	sfence  }
0xbd: {  	s30 =	sld [smem:$0x0];
	_ =	sdelay $0x2  }
0xbe: {  	s31 =	sshll.u32 s1, $0xD;
	s1 =	sshrl.u32 s1, $0x2  }
0xbf: {  	s3 =	sand.u32 $0x4000, s31;
	s1 =	sadd.s32 s1, s30  }
0xc0: {  	s0 =	sor.u32 s3, s0;
	s1 =	sshll.u32 s1, $0x11  }
0xc1: {  	s0 =	sor.u32 s1, s0  }
0xc2: {  	s0 =	sadd.s32 $0x8F2B, s0  }
0xc3: {  	[sflag:s0] =	ssyncadd.remote.s32 $0x1  }
0xc4: {  	_ =	sfence.sel $0xFFFF  }
0xc5: {  	[dreg:$0x0] =	wrdreg $0xFFFFFFFF;
	(pc) =	sbr.abs _section_cstart, $3  }
0xc6: {  	[dreg:$0x1] =	wrdreg $0xFFFFFFFF  }
0xc7: {  	_ =	task.clear_ibuf [dreg:s7], $0x2FFFF;
	_ =	strace $0x9FFFFFFF  }
0xc8: {  	(tm) =	ssettm $0x7FFFFFFF  }
0xc9: {  	_ =	shalt  }
tec
execute0_lowered:
.L_overlay_start_1:
0x0: {  	(tag) =	ssettag $0x1  }
0x1: {  	s0 =	rddreg [dreg:$0x0]  }
0x2: {  	s1 =	rddreg [dreg:$0x1]  }
0x3: {  	s2 =	srdreg.scid;
	s4 =	stileid.u32;
	s11 =	simm.s32 $0x100  }
0x4: {  	s28 =	simm.s32 $0x1;
	s30 =	simm.s32 $0x6900;
	s31 =	simm.s32 $0x6D00  }
0x5: {  	s10 =	simm.s32 $0x8100;
	s12 =	simm.s32 $0x8500;
	s13 =	simm.s32 $0x8D00  }
0x6: {  	s14 =	simm.s32 $0x9100;
	s15 =	simm.s32 $0x9900;
	s16 =	simm.s32 $0x9D00  }
0x7: {  	s17 =	simm.s32 $0xA500;
	s18 =	simm.s32 $0xA900;
	s19 =	simm.s32 $0xB100  }
0x8: {  	s20 =	simm.s32 $0xB500;
	s21 =	simm.s32 $0xBD00;
	s22 =	simm.s32 $0x0  }
0x9: {  	s3 =	sand.u32 $0x1, s2;
	s2 =	simm.s32 $0x0;
	s4 =	sshll.u32 s4, $0x4  }
0xa: {  	s5 =	sshll.u32 s3, $0x3;
	[smem:$0x7FF] =	sst s2;
	s6 =	ssub.s32 $0x2, s3  }
0xb: {  	s3 =	sadd.s32 $0x1200, s0;
	s4 =	sor.u32 s5, s4;
	_ =	strace $0x8000004A  }
0xc: {  	s7 =	sshrl.u32 s6, $0x1;
	s5 =	sadd.s32 s4, s0;
	s8 =	smul.u32 $0x180, s4  }
0xd: {  	v2 =	vlaneseq.u32;
	s9 =	ssub.s32 s6, s7;
	s6 =	sadd.s32 $0x1300, s0;
	s0 =	simm.s32 $0x7500  }
0xe: {  	vm0 =	vmmov $0xffff;
	vm1 =	vmmov $0xff;
	v1 =	vshrl.u32 v2, $0x3;
	s4 =	sadd.s32 $0x3E400, s5;
	s5 =	sadd.s32 $0x3E200, s5;
	s7 =	sadd.s32 s1, s8  }
0xf: {  	v0 =	vand.u32 $0x7, v2;
	v2 =	vor.u32 $0x8, v2;
	v1 =	vmul.u32 $0x8, v1;
	s8 =	smax.u32 s9, $0x1;
	s9 =	simm.s32 $0x2;
	s1 =	simm.s32 $0x7900  }
.LBB2_1:
0x10: {  	[tilespmem:s2], [sflag:$0x2] =	stream.linear.gather [hbm4b:s4+s2], $0x40, $0x38;
	[tilespmem:$0xC100] =	vst v63  }
0x11: {  	_ =	swait.ge [sflag:s9], $0x40  }
0x12: {  	[sflag:s9] =	ssyncset.done $0x0  }
0x13: {  	s23 =	simm.s32 $0x80;
	[sflag:s9] =	ssyncadd.s32 $0xFFFFFFC0  }
0x14: {  	[tilespmem:s23], [sflag:$0x2] =	stream.linear.gather [hbm4b:s5+s2], $0x40, $0x38;
	[tilespmem:$0xC100] =	vst v63  }
0x15: {  	_ =	swait.ge [sflag:s9], $0x40  }
0x16: {  	[sflag:s9] =	ssyncset.done $0x0  }
0x17: {  	[sflag:s9] =	ssyncadd.s32 $0xFFFFFFC0  }
0x18: {  	v3 =	vld [tilespmem:$0x0];
	_ =	sdelay $0x4  }
0x19: {  	v4 =	vshrl.u32 v3, $0x3  }
0x1a: {  	v4 =	vmul.u32 $0x18, v4  }
0x1b: {  	v3 =	vand.u32 $0x7, v3  }
0x1c: {  	v3 =	vor.u32 v3, v4  }
0x1d: {  	v4 =	vperm.xlane v3, v0;
	_ =	sdelay $0x1  }
0x1e: {  	v4 =	vadd.s32 v1, v4;
	_ =	sdelay $0x1  }
0x1f: {  	v3 =	vperm.xlane v3, v2;
	_ =	sdelay $0x1  }
0x20: {  	v3 =	vadd.s32 v1, v3  }
0x21: {  	[tilespmem:s11], [sflag:$0x1] =	stream.indirect_vreg.gather [hbm4b:s3+s2], $0x80, v4, vm0, $0xb8;
	[tilespmem:$0xC100] =	vst v63  }
0x22: {  	s29 =	simm.s32 $0x900  }
0x23: {  	[tilespmem:s29], [sflag:$0x1] =	stream.indirect_vreg.gather [hbm4b:s6+s2], $0x80, v4, vm1, $0xb8;
	[tilespmem:$0xC100] =	vst v63  }
0x24: {  	s24 =	simm.s32 $0xD00  }
0x25: {  	[tilespmem:s24], [sflag:$0x1] =	stream.indirect_vreg.gather [hbm4b:s3+s2], $0x80, v3, vm0, $0xb8;
	[tilespmem:$0xC100] =	vst v63  }
0x26: {  	s25 =	simm.s32 $0x1500  }
0x27: {  	[tilespmem:s25], [sflag:$0x1] =	stream.indirect_vreg.gather [hbm4b:s6+s2], $0x80, v3, vm1, $0xb8;
	[tilespmem:$0xC100] =	vst v63  }
0x28: {  	v3 =	vld [tilespmem:$0x10];
	_ =	sdelay $0x4  }
0x29: {  	v4 =	vshrl.u32 v3, $0x3  }
0x2a: {  	v4 =	vmul.u32 $0x18, v4  }
0x2b: {  	v3 =	vand.u32 $0x7, v3  }
0x2c: {  	v3 =	vor.u32 v3, v4  }
0x2d: {  	v4 =	vperm.xlane v3, v0;
	_ =	sdelay $0x1  }
0x2e: {  	v4 =	vadd.s32 v1, v4;
	_ =	sdelay $0x1  }
0x2f: {  	v3 =	vperm.xlane v3, v2;
	_ =	sdelay $0x1  }
0x30: {  	s26 =	simm.s32 $0x1900;
	v3 =	vadd.s32 v1, v3  }
0x31: {  	[tilespmem:s26], [sflag:$0x1] =	stream.indirect_vreg.gather [hbm4b:s3+s2], $0x80, v4, vm0, $0xb8;
	[tilespmem:$0xC100] =	vst v63  }
0x32: {  	s29 =	simm.s32 $0x2100  }
0x33: {  	[tilespmem:s29], [sflag:$0x1] =	stream.indirect_vreg.gather [hbm4b:s6+s2], $0x80, v4, vm1, $0xb8;
	[tilespmem:$0xC100] =	vst v63  }
0x34: {  	s24 =	simm.s32 $0x2500  }
0x35: {  	[tilespmem:s24], [sflag:$0x1] =	stream.indirect_vreg.gather [hbm4b:s3+s2], $0x80, v3, vm0, $0xb8;
	[tilespmem:$0xC100] =	vst v63  }
0x36: {  	s25 =	simm.s32 $0x2D00  }
0x37: {  	[tilespmem:s25], [sflag:$0x1] =	stream.indirect_vreg.gather [hbm4b:s6+s2], $0x80, v3, vm1, $0xb8;
	[tilespmem:$0xC100] =	vst v63  }
0x38: {  	v3 =	vld [tilespmem:$0x20];
	_ =	sdelay $0x4  }
0x39: {  	v4 =	vshrl.u32 v3, $0x3  }
0x3a: {  	v4 =	vmul.u32 $0x18, v4  }
0x3b: {  	v3 =	vand.u32 $0x7, v3  }
0x3c: {  	v3 =	vor.u32 v3, v4  }
0x3d: {  	v4 =	vperm.xlane v3, v0;
	_ =	sdelay $0x1  }
0x3e: {  	v4 =	vadd.s32 v1, v4;
	_ =	sdelay $0x1  }
0x3f: {  	v3 =	vperm.xlane v3, v2;
	_ =	sdelay $0x1  }
0x40: {  	s26 =	simm.s32 $0x3100;
	v3 =	vadd.s32 v1, v3  }
0x41: {  	[tilespmem:s26], [sflag:$0x1] =	stream.indirect_vreg.gather [hbm4b:s3+s2], $0x80, v4, vm0, $0xb8;
	[tilespmem:$0xC100] =	vst v63  }
0x42: {  	s29 =	simm.s32 $0x3900  }
0x43: {  	[tilespmem:s29], [sflag:$0x1] =	stream.indirect_vreg.gather [hbm4b:s6+s2], $0x80, v4, vm1, $0xb8;
	[tilespmem:$0xC100] =	vst v63  }
0x44: {  	s24 =	simm.s32 $0x3D00  }
0x45: {  	[tilespmem:s24], [sflag:$0x1] =	stream.indirect_vreg.gather [hbm4b:s3+s2], $0x80, v3, vm0, $0xb8;
	[tilespmem:$0xC100] =	vst v63  }
0x46: {  	s25 =	simm.s32 $0x4500  }
0x47: {  	[tilespmem:s25], [sflag:$0x1] =	stream.indirect_vreg.gather [hbm4b:s6+s2], $0x80, v3, vm1, $0xb8;
	[tilespmem:$0xC100] =	vst v63  }
0x48: {  	v3 =	vld [tilespmem:$0x30];
	_ =	sdelay $0x4  }
0x49: {  	v4 =	vshrl.u32 v3, $0x3  }
0x4a: {  	v4 =	vmul.u32 $0x18, v4  }
0x4b: {  	v3 =	vand.u32 $0x7, v3  }
0x4c: {  	v3 =	vor.u32 v3, v4  }
0x4d: {  	v4 =	vperm.xlane v3, v0;
	_ =	sdelay $0x1  }
0x4e: {  	v4 =	vadd.s32 v1, v4;
	_ =	sdelay $0x1  }
0x4f: {  	v3 =	vperm.xlane v3, v2;
	_ =	sdelay $0x1  }
0x50: {  	s26 =	simm.s32 $0x4900;
	v3 =	vadd.s32 v1, v3  }
0x51: {  	[tilespmem:s26], [sflag:$0x1] =	stream.indirect_vreg.gather [hbm4b:s3+s2], $0x80, v4, vm0, $0xb8;
	[tilespmem:$0xC100] =	vst v63  }
0x52: {  	s29 =	simm.s32 $0x5100  }
0x53: {  	[tilespmem:s29], [sflag:$0x1] =	stream.indirect_vreg.gather [hbm4b:s6+s2], $0x80, v4, vm1, $0xb8;
	[tilespmem:$0xC100] =	vst v63  }
0x54: {  	s24 =	simm.s32 $0x5500  }
0x55: {  	[tilespmem:s24], [sflag:$0x1] =	stream.indirect_vreg.gather [hbm4b:s3+s2], $0x80, v3, vm0, $0xb8;
	[tilespmem:$0xC100] =	vst v63  }
0x56: {  	s25 =	simm.s32 $0x5D00  }
0x57: {  	[tilespmem:s25], [sflag:$0x1] =	stream.indirect_vreg.gather [hbm4b:s6+s2], $0x80, v3, vm1, $0xb8;
	[tilespmem:$0xC100] =	vst v63  }
0x58: {  	_ =	swait.ge [sflag:s28], $0x6000  }
0x59: {  	[sflag:s28] =	ssyncset.done $0x0  }
0x5a: {  	[sflag:s28] =	ssyncadd.s32 $0xFFFFA000  }
0x5b: {  	v3 =	vld [tilespmem:$0x80];
	_ =	sdelay $0x4  }
0x5c: {  	v4 =	vshrl.u32 v3, $0x3  }
0x5d: {  	v4 =	vmul.u32 $0x18, v4  }
0x5e: {  	v3 =	vand.u32 $0x7, v3  }
0x5f: {  	v3 =	vor.u32 v3, v4  }
0x60: {  	v4 =	vperm.xlane v3, v0;
	_ =	sdelay $0x1  }
0x61: {  	v4 =	vadd.s32 v1, v4;
	_ =	sdelay $0x1  }
0x62: {  	v3 =	vperm.xlane v3, v2;
	_ =	sdelay $0x1  }
0x63: {  	s26 =	simm.s32 $0x6100;
	v3 =	vadd.s32 v1, v3  }
0x64: {  	[tilespmem:s26], [sflag:$0x1] =	stream.indirect_vreg.gather [hbm4b:s3+s2], $0x80, v4, vm0, $0xb8;
	[tilespmem:$0xC100] =	vst v63  }
0x65: {  	_ = 	snop  }
0x66: {  	[tilespmem:s30], [sflag:$0x1] =	stream.indirect_vreg.gather [hbm4b:s6+s2], $0x80, v4, vm1, $0xb8;
	[tilespmem:$0xC100] =	vst v63  }
0x67: {  	_ = 	snop  }
0x68: {  	[tilespmem:s31], [sflag:$0x1] =	stream.indirect_vreg.gather [hbm4b:s3+s2], $0x80, v3, vm0, $0xb8;
	[tilespmem:$0xC100] =	vst v63  }
0x69: {  	_ = 	snop  }
0x6a: {  	[tilespmem:s0], [sflag:$0x1] =	stream.indirect_vreg.gather [hbm4b:s6+s2], $0x80, v3, vm1, $0xb8;
	[tilespmem:$0xC100] =	vst v63  }
0x6b: {  	v3 =	vld [tilespmem:$0x90];
	_ =	sdelay $0x4  }
0x6c: {  	v4 =	vshrl.u32 v3, $0x3  }
0x6d: {  	v4 =	vmul.u32 $0x18, v4  }
0x6e: {  	v3 =	vand.u32 $0x7, v3  }
0x6f: {  	v3 =	vor.u32 v3, v4  }
0x70: {  	v4 =	vperm.xlane v3, v0;
	_ =	sdelay $0x1  }
0x71: {  	v4 =	vadd.s32 v1, v4;
	_ =	sdelay $0x1  }
0x72: {  	v3 =	vperm.xlane v3, v2;
	_ =	sdelay $0x1  }
0x73: {  	v3 =	vadd.s32 v1, v3  }
0x74: {  	[tilespmem:s1], [sflag:$0x1] =	stream.indirect_vreg.gather [hbm4b:s3+s2], $0x80, v4, vm0, $0xb8;
	[tilespmem:$0xC100] =	vst v63  }
0x75: {  	_ = 	snop  }
0x76: {  	[tilespmem:s10], [sflag:$0x1] =	stream.indirect_vreg.gather [hbm4b:s6+s2], $0x80, v4, vm1, $0xb8;
	[tilespmem:$0xC100] =	vst v63  }
0x77: {  	_ = 	snop  }
0x78: {  	[tilespmem:s12], [sflag:$0x1] =	stream.indirect_vreg.gather [hbm4b:s3+s2], $0x80, v3, vm0, $0xb8;
	[tilespmem:$0xC100] =	vst v63  }
0x79: {  	_ = 	snop  }
0x7a: {  	[tilespmem:s13], [sflag:$0x1] =	stream.indirect_vreg.gather [hbm4b:s6+s2], $0x80, v3, vm1, $0xb8;
	[tilespmem:$0xC100] =	vst v63  }
0x7b: {  	v3 =	vld [tilespmem:$0xA0];
	_ =	sdelay $0x4  }
0x7c: {  	v4 =	vshrl.u32 v3, $0x3  }
0x7d: {  	v4 =	vmul.u32 $0x18, v4  }
0x7e: {  	v3 =	vand.u32 $0x7, v3  }
0x7f: {  	v3 =	vor.u32 v3, v4  }
0x80: {  	v4 =	vperm.xlane v3, v0;
	_ =	sdelay $0x1  }
0x81: {  	v4 =	vadd.s32 v1, v4;
	_ =	sdelay $0x1  }
0x82: {  	v3 =	vperm.xlane v3, v2;
	_ =	sdelay $0x1  }
0x83: {  	v3 =	vadd.s32 v1, v3  }
0x84: {  	[tilespmem:s14], [sflag:$0x1] =	stream.indirect_vreg.gather [hbm4b:s3+s2], $0x80, v4, vm0, $0xb8;
	[tilespmem:$0xC100] =	vst v63  }
0x85: {  	_ = 	snop  }
0x86: {  	[tilespmem:s15], [sflag:$0x1] =	stream.indirect_vreg.gather [hbm4b:s6+s2], $0x80, v4, vm1, $0xb8;
	[tilespmem:$0xC100] =	vst v63  }
0x87: {  	_ = 	snop  }
0x88: {  	[tilespmem:s16], [sflag:$0x1] =	stream.indirect_vreg.gather [hbm4b:s3+s2], $0x80, v3, vm0, $0xb8;
	[tilespmem:$0xC100] =	vst v63  }
0x89: {  	_ = 	snop  }
0x8a: {  	[tilespmem:s17], [sflag:$0x1] =	stream.indirect_vreg.gather [hbm4b:s6+s2], $0x80, v3, vm1, $0xb8;
	[tilespmem:$0xC100] =	vst v63  }
0x8b: {  	v3 =	vld [tilespmem:$0xB0];
	_ =	sdelay $0x4  }
0x8c: {  	v4 =	vshrl.u32 v3, $0x3  }
0x8d: {  	v4 =	vmul.u32 $0x18, v4  }
0x8e: {  	v3 =	vand.u32 $0x7, v3  }
0x8f: {  	v3 =	vor.u32 v3, v4  }
0x90: {  	v4 =	vperm.xlane v3, v0;
	_ =	sdelay $0x1  }
0x91: {  	v4 =	vadd.s32 v1, v4;
	_ =	sdelay $0x1  }
0x92: {  	v3 =	vperm.xlane v3, v2;
	_ =	sdelay $0x1  }
0x93: {  	v3 =	vadd.s32 v1, v3  }
0x94: {  	[tilespmem:s18], [sflag:$0x1] =	stream.indirect_vreg.gather [hbm4b:s3+s2], $0x80, v4, vm0, $0xb8;
	[tilespmem:$0xC100] =	vst v63  }
0x95: {  	_ = 	snop  }
0x96: {  	[tilespmem:s19], [sflag:$0x1] =	stream.indirect_vreg.gather [hbm4b:s6+s2], $0x80, v4, vm1, $0xb8;
	[tilespmem:$0xC100] =	vst v63  }
0x97: {  	_ = 	snop  }
0x98: {  	[tilespmem:s20], [sflag:$0x1] =	stream.indirect_vreg.gather [hbm4b:s3+s2], $0x80, v3, vm0, $0xb8;
	[tilespmem:$0xC100] =	vst v63  }
0x99: {  	s29 =	simm.s32 $0x0  }
0x9a: {  	[tilespmem:s21], [sflag:$0x1] =	stream.indirect_vreg.gather [hbm4b:s6+s2], $0x80, v3, vm1, $0xb8;
	[tilespmem:$0xC100] =	vst v63  }
0x9b: {  	s23 =	smul.u32 $0xC00, s29;
	_ =	swait.ge [sflag:s28], $0x6000  }
0x9c: {  	s24 =	sand.u32 $0x380, s2;
	[sflag:s28] =	ssyncset.done $0x0  }
0x9d: {  	s23 =	sor.u32 s24, s23;
	[sflag:s28] =	ssyncadd.s32 $0xFFFFA000  }
0x9e: {  	v3 =	vld [tilespmem:s23+$0x6100]  }
0x9f: {  	v12 =	vld [tilespmem:s23+$0x6110]  }
0xa0: {  	v13 =	vld [tilespmem:s23+$0x6120]  }
0xa1: {  	v14 =	vld [tilespmem:s23+$0x6130]  }
0xa2: {  	v15 =	vld [tilespmem:s23+$0x6140]  }
0xa3: {  	v16 =	vld [tilespmem:s23+$0x6150]  }
0xa4: {  	v17 =	vld [tilespmem:s23+$0x6160]  }
0xa5: {  	v18 =	vld [tilespmem:s23+$0x6170]  }
0xa6: {  	v19 =	vld [tilespmem:s23+$0x6500]  }
0xa7: {  	v20 =	vld [tilespmem:s23+$0x6510]  }
0xa8: {  	v21 =	vld [tilespmem:s23+$0x6520]  }
0xa9: {  	v22 =	vld [tilespmem:s23+$0x6530]  }
0xaa: {  	v23 =	vld [tilespmem:s23+$0x6540]  }
0xab: {  	v24 =	vld [tilespmem:s23+$0x6550]  }
0xac: {  	v25 =	vld [tilespmem:s23+$0x6560]  }
0xad: {  	v11 =	vld [tilespmem:s23+$0x6570]  }
0xae: {  	v10 =	vld [tilespmem:s23+$0x6900]  }
0xaf: {  	v9 =	vld [tilespmem:s23+$0x6910]  }
0xb0: {  	v8 =	vld [tilespmem:s23+$0x6920]  }
0xb1: {  	v7 =	vld [tilespmem:s23+$0x6930]  }
0xb2: {  	v6 =	vld [tilespmem:s23+$0x6940]  }
0xb3: {  	v26 =	vld [tilespmem:s23+$0x100]  }
0xb4: {  	v27 =	vld [tilespmem:s23+$0x110]  }
0xb5: {  	v5 =	vld [tilespmem:s23+$0x6950]  }
0xb6: {  	v28 =	vld [tilespmem:s23+$0x120]  }
0xb7: {  	v4 =	vld [tilespmem:s23+$0x6960]  }
0xb8: {  	v29 =	vld [tilespmem:s23+$0x130]  }
0xb9: {  	v59 =	vld [tilespmem:s23+$0x140]  }
0xba: {  	v60 =	vld [tilespmem:s23+$0x150]  }
0xbb: {  	v61 =	vld [tilespmem:s23+$0x160];
	v26 =	vadd.bf16 v3, v26  }
0xbc: {  	v62 =	vld [tilespmem:s23+$0x170];
	v12 =	vadd.bf16 v12, v27  }
0xbd: {  	v63 =	vld [tilespmem:s23+$0x540];
	v13 =	vadd.bf16 v13, v28;
	[tilespmem:s23+$0x100] =	vst v26  }
0xbe: {  	v3 =	vld [tilespmem:s23+$0x6970];
	v14 =	vadd.bf16 v14, v29;
	[tilespmem:s23+$0x110] =	vst v12  }
0xbf: {  	v15 =	vadd.bf16 v15, v59;
	v12 =	vld [tilespmem:s23+$0x500];
	[tilespmem:s23+$0x120] =	vst v13  }
0xc0: {  	v16 =	vadd.bf16 v16, v60;
	v13 =	vld [tilespmem:s23+$0x510];
	[tilespmem:s23+$0x130] =	vst v14  }
0xc1: {  	v17 =	vadd.bf16 v17, v61;
	v14 =	vld [tilespmem:s23+$0x520];
	[tilespmem:s23+$0x140] =	vst v15  }
0xc2: {  	v15 =	vld [tilespmem:s23+$0x530];
	[tilespmem:s23+$0x150] =	vst v16;
	v16 =	vadd.bf16 v18, v62  }
0xc3: {  	[tilespmem:s23+$0x160] =	vst v17;
	v17 =	vld [tilespmem:s23+$0x550];
	v18 =	vadd.bf16 v23, v63  }
0xc4: {  	[tilespmem:s23+$0x170] =	vst v16;
	v12 =	vadd.bf16 v19, v12;
	v19 =	vld [tilespmem:s23+$0x560]  }
0xc5: {  	v16 =	vld [tilespmem:s23+$0x570];
	[tilespmem:s23+$0x540] =	vst v18;
	v13 =	vadd.bf16 v20, v13  }
0xc6: {  	v14 =	vadd.bf16 v21, v14;
	[tilespmem:s23+$0x500] =	vst v12;
	v12 =	vld [tilespmem:s23+$0x900]  }
0xc7: {  	v15 =	vadd.bf16 v22, v15;
	[tilespmem:s23+$0x510] =	vst v13;
	v13 =	vld [tilespmem:s23+$0x910]  }
0xc8: {  	v18 =	vadd.bf16 v24, v17;
	[tilespmem:s23+$0x520] =	vst v14;
	v14 =	vld [tilespmem:s23+$0x920]  }
0xc9: {  	s24 =	simm.s32 $0x1;
	s25 =	simm.s32 $0x0;
	[tilespmem:s23+$0x530] =	vst v15;
	v15 =	vld [tilespmem:s23+$0x930];
	v17 =	vadd.bf16 v25, v19  }
.LBB2_2:
0xca: {  	s26 =	sshrl.u32 s24, $0x3;
	p0 =	sne.s32 s24, $0x3F;
	[tilespmem:s23+$0x550] =	vst v18;
	v11 =	vadd.bf16 v11, v16;
	v16 =	vld [tilespmem:s23+$0x940]  }
0xcb: {  	s25 =	sadd.s32 $0x80, s25;
	s26 =	smul.u32 $0xC00, s26;
	[tilespmem:s23+$0x560] =	vst v17;
	v10 =	vadd.bf16 v10, v12;
	v12 =	vld [tilespmem:s23+$0x950]  }
0xcc: {  	s29 =	sand.u32 $0x380, s25;
	[tilespmem:s23+$0x570] =	vst v11;
	v9 =	vadd.bf16 v9, v13;
	v11 =	vld [tilespmem:s23+$0x960]  }
0xcd: {  	s26 =	sor.u32 s29, s26;
	[tilespmem:s23+$0x900] =	vst v10;
	v8 =	vadd.bf16 v8, v14;
	v10 =	vld [tilespmem:s23+$0x970]  }
0xce: {  	v13 =	vld [tilespmem:s26+$0x6100];
	[tilespmem:s23+$0x910] =	vst v9;
	v7 =	vadd.bf16 v7, v15  }
0xcf: {  	v14 =	vld [tilespmem:s26+$0x6110];
	[tilespmem:s23+$0x920] =	vst v8;
	v6 =	vadd.bf16 v6, v16  }
0xd0: {  	v15 =	vld [tilespmem:s26+$0x6120];
	[tilespmem:s23+$0x930] =	vst v7;
	v5 =	vadd.bf16 v5, v12  }
0xd1: {  	v12 =	vld [tilespmem:s26+$0x6130];
	[tilespmem:s23+$0x940] =	vst v6;
	v4 =	vadd.bf16 v4, v11  }
0xd2: {  	v16 =	vld [tilespmem:s26+$0x6140];
	[tilespmem:s23+$0x950] =	vst v5;
	v3 =	vadd.bf16 v3, v10  }
0xd3: {  	v17 =	vld [tilespmem:s26+$0x6150];
	[tilespmem:s23+$0x960] =	vst v4  }
0xd4: {  	v18 =	vld [tilespmem:s26+$0x6160];
	[tilespmem:s23+$0x970] =	vst v3;
	s23 =	smov.u32 s26  }
0xd5: {  	v19 =	vld [tilespmem:s23+$0x6170]  }
0xd6: {  	v20 =	vld [tilespmem:s23+$0x6500]  }
0xd7: {  	v21 =	vld [tilespmem:s23+$0x6510]  }
0xd8: {  	v22 =	vld [tilespmem:s23+$0x6520]  }
0xd9: {  	v23 =	vld [tilespmem:s23+$0x6530]  }
0xda: {  	v24 =	vld [tilespmem:s23+$0x6540]  }
0xdb: {  	v25 =	vld [tilespmem:s23+$0x6550]  }
0xdc: {  	v26 =	vld [tilespmem:s23+$0x6560]  }
0xdd: {  	v11 =	vld [tilespmem:s23+$0x6570]  }
0xde: {  	v10 =	vld [tilespmem:s23+$0x6900]  }
0xdf: {  	v9 =	vld [tilespmem:s23+$0x6910]  }
0xe0: {  	v8 =	vld [tilespmem:s23+$0x6920]  }
0xe1: {  	v7 =	vld [tilespmem:s23+$0x6930]  }
0xe2: {  	v6 =	vld [tilespmem:s23+$0x6940]  }
0xe3: {  	v5 =	vld [tilespmem:s23+$0x6950]  }
0xe4: {  	v4 =	vld [tilespmem:s23+$0x6960]  }
0xe5: {  	v3 =	vld [tilespmem:s23+$0x6970]  }
0xe6: {  	v27 =	vld [tilespmem:s23+$0x100]  }
0xe7: {  	v28 =	vld [tilespmem:s23+$0x110]  }
0xe8: {  	v29 =	vld [tilespmem:s23+$0x120]  }
0xe9: {  	v30 =	vld [tilespmem:s23+$0x130]  }
0xea: {  	v31 =	vld [tilespmem:s23+$0x140]  }
0xeb: {  	v13 =	vadd.bf16 v13, v27;
	v27 =	vld [tilespmem:s23+$0x150]  }
0xec: {  	v14 =	vadd.bf16 v14, v28;
	v28 =	vld [tilespmem:s23+$0x160]  }
0xed: {  	[tilespmem:s23+$0x100] =	vst v13;
	v13 =	vadd.bf16 v15, v29;
	v15 =	vld [tilespmem:s23+$0x170]  }
0xee: {  	[tilespmem:s23+$0x110] =	vst v14;
	v12 =	vadd.bf16 v12, v30;
	v14 =	vld [tilespmem:s23+$0x500]  }
0xef: {  	[tilespmem:s23+$0x120] =	vst v13;
	v13 =	vadd.bf16 v16, v31;
	v16 =	vld [tilespmem:s23+$0x510]  }
0xf0: {  	[tilespmem:s23+$0x130] =	vst v12;
	v12 =	vadd.bf16 v17, v27;
	v17 =	vld [tilespmem:s23+$0x520]  }
0xf1: {  	[tilespmem:s23+$0x140] =	vst v13;
	v13 =	vadd.bf16 v18, v28;
	v18 =	vld [tilespmem:s23+$0x530]  }
0xf2: {  	[tilespmem:s23+$0x150] =	vst v12;
	v12 =	vadd.bf16 v19, v15;
	v15 =	vld [tilespmem:s23+$0x540]  }
0xf3: {  	[tilespmem:s23+$0x160] =	vst v13;
	v13 =	vadd.bf16 v20, v14;
	v14 =	vld [tilespmem:s23+$0x550]  }
0xf4: {  	[tilespmem:s23+$0x170] =	vst v12;
	v12 =	vadd.bf16 v21, v16;
	v19 =	vld [tilespmem:s23+$0x560]  }
.Ltmp0:
0xf5: {  	[tilespmem:s23+$0x500] =	vst v13;
	v13 =	vadd.bf16 v22, v17;
	v16 =	vld [tilespmem:s23+$0x570];
	(pc) =	sbr.rel @p0 .LBB2_2-.Ltmp0, $4  }
0xf6: {  	[tilespmem:s23+$0x510] =	vst v12;
	v17 =	vadd.bf16 v23, v18;
	v12 =	vld [tilespmem:s23+$0x900]  }
0xf7: {  	[tilespmem:s23+$0x520] =	vst v13;
	v15 =	vadd.bf16 v24, v15;
	v13 =	vld [tilespmem:s23+$0x910]  }
0xf8: {  	[tilespmem:s23+$0x530] =	vst v17;
	v18 =	vadd.bf16 v25, v14;
	v14 =	vld [tilespmem:s23+$0x920]  }
0xf9: {  	s24 =	sadd.s32 $0x1, s24;
	[tilespmem:s23+$0x540] =	vst v15;
	v17 =	vadd.bf16 v26, v19;
	v15 =	vld [tilespmem:s23+$0x930]  }
0xfa: {  	[tilespmem:s23+$0x550] =	vst v18;
	v60 =	vld [tilespmem:s23+$0x940];
	v11 =	vadd.bf16 v11, v16  }
0xfb: {  	v61 =	vld [tilespmem:s23+$0x950];
	[tilespmem:s23+$0x560] =	vst v17;
	v10 =	vadd.bf16 v10, v12  }
0xfc: {  	v62 =	vld [tilespmem:s23+$0x960];
	[tilespmem:s23+$0x570] =	vst v11;
	v9 =	vadd.bf16 v9, v13  }
0xfd: {  	v63 =	vld [tilespmem:s23+$0x970];
	[tilespmem:s23+$0x900] =	vst v10;
	v8 =	vadd.bf16 v8, v14  }
0xfe: {  	[tilespmem:s23+$0x910] =	vst v9;
	v7 =	vadd.bf16 v7, v15  }
0xff: {  	[tilespmem:s23+$0x920] =	vst v8;
	v6 =	vadd.bf16 v6, v60  }
0x100: {  	v5 =	vadd.bf16 v5, v61;
	[tilespmem:s23+$0x930] =	vst v7  }
0x101: {  	v4 =	vadd.bf16 v4, v62;
	[tilespmem:s23+$0x940] =	vst v6  }
0x102: {  	s22 =	sadd.s32 $0x1, s22;
	v3 =	vadd.bf16 v3, v63;
	[tilespmem:s23+$0x950] =	vst v5  }
0x103: {  	p0 =	sne.s32 s22, s8;
	[tilespmem:s23+$0x960] =	vst v4  }
.Ltmp1:
0x104: {  	[tilespmem:s23+$0x970] =	vst v3;
	(pc) =	sbr.rel @p0 .LBB2_1-.Ltmp1, $4  }
0x105: {  	[hbm4b:s7+s2] =	stream.linear.scatter [tilespmem:s11], [sflag:$0x2], $0x6000, $0x38;
	[tilespmem:$0xC100] =	vst v63  }
0x106: {  	_ =	swait.ge [sflag:s9], $0x6000  }
0x107: {  	[sflag:s9] =	ssyncset.done $0x0  }
0x108: {  	[sflag:s9] =	ssyncadd.s32 $0xFFFFA000  }
0x109: {  	_ =	sfence.sel $0x180000  }
0x10a: {  	[bflag:$0x0] =	sbarrier.arrive $0xFFFF  }
0x10b: {  	_ =	strace $0x9000004A  }
0x10c: {  	s0 =	stileid.u32;
	[bflag:$0x2] =	sbarrier.arrive $0xFFFF  }
0x10d: {  	p0 =	sne.s32 s0, $0x0;
	s0 =	rddreg [dreg:$0x2]  }
0x10e: {  	s0 =	sadd.s32 @!p0 $0x100000, s0  }
0x10f: {  	[sflag:s0] =	ssyncadd.tile.s32 @!p0 $0x1;
	_ =	shalt  }
.Lfunc_end2:
_tile_overlayer_lowered:
.L_overlay_start_2:
0x110: {  	(tag) =	ssettag $0x2  }
0x111: {  	s0 =	rddreg [dreg:$0x0];
	s2 =	stileid.u32  }
0x112: {  	s1 =	rddreg [dreg:$0x1];
	p0 =	sne.s32 s2, $0x0  }
0x113: {  	s3 =	rddreg [dreg:$0x2];
	[bflag:$0x3] =	sbarrier.arrive $0xFFFF;
	s2 =	simm.s32 @!p0 $0x1C02  }
0x114: {  	[timem:s3], [sflag:s2] =	dma.local @!p0 [hbm:s0], s1  }
0x115: {  	s0 =	simm.s32 @!p0 $0x2  }
0x116: {  	_ =	swait.ge @!p0 [sflag:s0], s1  }
0x117: {  	s1 =	ssub.s32 @!p0 $0x0, s1;
	[sflag:s0] =	ssyncset.done @!p0 $0x0  }
0x118: {  	[sflag:s0] =	ssyncadd.s32 @!p0 s1  }
0x119: {  	[bflag:$0x3] =	sbarrier.arrive $0xFFFF  }
0x11a: {  	_ =	shalt  }

</sc_bundles>
